<compile_context>
chip_gen: v7x
topology: tpu7x:2x2x1
jax: 0.10.2.dev20260603
libtpu: 0.0.44.dev20260713+nightly
codegen_flags: <defaults>
</compile_context>

<pallas_src>
import functools

import jax
import jax.numpy as jnp
from jax import lax
from jax.experimental import pallas as pl
from jax.experimental.pallas import tpu as pltpu
from jax.experimental.pallas import tpu_sc as plsc

N = 10000
D = 128
HID = 256
E = 320000

NC = 2
NS = 16
NW = NC * NS
CHUNK = 128
NPAD = 10240
RPT = NPAD // NS
NCHUNK = 80
NCIDX = NCHUNK + 1
EPT = NCHUNK * CHUNK
EPAD = NCIDX * CHUNK * NW
DEGW = 16
ZR = 64

@functools.cache
def _mesh():
    return plsc.VectorSubcoreMesh(core_axis_name="c", subcore_axis_name="s",
                                  num_cores=NC, num_subcores=NS)


def _deg_body(dst3_hbm, zeros_hbm, ones_hbm, degp_hbm, acc,
              didx_a, didx_b, ones, sem_a, sem_b):
    c = lax.axis_index("c")
    s = lax.axis_index("s")
    wid = c * NS + s

    pltpu.sync_copy(zeros_hbm.at[pl.ds(s * RPT, RPT)],
                    acc.at[pl.ds(s * RPT, RPT)])
    pltpu.sync_copy(ones_hbm, ones)
    plsc.subcore_barrier()

    pltpu.sync_copy(dst3_hbm.at[wid].at[0], didx_a)

    def step(k, carry):
        j0 = 2 * k
        pltpu.async_copy(ones, acc.at[didx_a], sem_a, add=True)
        pltpu.sync_copy(dst3_hbm.at[wid].at[j0 + 1], didx_b)
        pltpu.make_async_copy(ones, acc.at[didx_a], sem_a).wait()
        pltpu.async_copy(ones, acc.at[didx_b], sem_b, add=True)
        pltpu.sync_copy(dst3_hbm.at[wid].at[j0 + 2], didx_a)
        pltpu.make_async_copy(ones, acc.at[didx_b], sem_b).wait()
        return carry

    lax.fori_loop(0, NCHUNK // 2, step, 0)
    plsc.subcore_barrier()
    pltpu.sync_copy(acc.at[pl.ds(s * RPT, RPT)],
                    degp_hbm.at[pl.ds(c * NPAD + s * RPT, RPT)])


@functools.cache
def _deg_call():
    return pl.kernel(
        _deg_body,
        out_type=jax.ShapeDtypeStruct((NC * NPAD, D), jnp.float32),
        mesh=_mesh(),
        scratch_types=[
            pltpu.VMEM_SHARED((NPAD, D), jnp.float32),
            pltpu.VMEM((CHUNK,), jnp.int32),
            pltpu.VMEM((CHUNK,), jnp.int32),
            pltpu.VMEM((CHUNK, D), jnp.float32),
            pltpu.SemaphoreType.DMA,
            pltpu.SemaphoreType.DMA,
        ],
    )


def _spmm_body(src3_hbm, dst3_hbm, v_hbm, zeros_hbm, out_hbm, acc,
               sidx, didx_a, didx_b, rows_a, rows_b, sem_a, sem_b):
    c = lax.axis_index("c")
    s = lax.axis_index("s")
    wid = c * NS + s

    pltpu.sync_copy(zeros_hbm.at[pl.ds(s * RPT, RPT)],
                    acc.at[pl.ds(s * RPT, RPT)])
    pltpu.sync_copy(src3_hbm.at[wid], sidx)
    plsc.subcore_barrier()

    pltpu.sync_copy(dst3_hbm.at[wid].at[0], didx_a)
    pltpu.async_copy(v_hbm.at[sidx.at[0]], rows_a, sem_a)

    def step(k, carry):
        j0 = 2 * k
        pltpu.async_copy(v_hbm.at[sidx.at[j0 + 1]], rows_b, sem_b)
        pltpu.sync_copy(dst3_hbm.at[wid].at[j0 + 1], didx_b)
        pltpu.make_async_copy(v_hbm.at[sidx.at[j0]], rows_a, sem_a).wait()
        pltpu.sync_copy(rows_a, acc.at[didx_a], add=True)
        pltpu.async_copy(v_hbm.at[sidx.at[j0 + 2]], rows_a, sem_a)
        pltpu.sync_copy(dst3_hbm.at[wid].at[j0 + 2], didx_a)
        pltpu.make_async_copy(v_hbm.at[sidx.at[j0 + 1]], rows_b, sem_b).wait()
        pltpu.sync_copy(rows_b, acc.at[didx_b], add=True)
        return carry

    lax.fori_loop(0, NCHUNK // 2, step, 0)
    pltpu.make_async_copy(v_hbm.at[sidx.at[NCHUNK]], rows_a, sem_a).wait()
    plsc.subcore_barrier()
    pltpu.sync_copy(acc.at[pl.ds(s * RPT, RPT)],
                    out_hbm.at[pl.ds(c * NPAD + s * RPT, RPT)])


@functools.cache
def _spmm_call():
    return pl.kernel(
        _spmm_body,
        out_type=jax.ShapeDtypeStruct((NC * NPAD, D), jnp.float32),
        mesh=_mesh(),
        scratch_types=[
            pltpu.VMEM_SHARED((NPAD, D), jnp.float32),
            pltpu.VMEM((NCIDX, CHUNK), jnp.int32),
            pltpu.VMEM((CHUNK,), jnp.int32),
            pltpu.VMEM((CHUNK,), jnp.int32),
            pltpu.VMEM((CHUNK, D), jnp.float32),
            pltpu.VMEM((CHUNK, D), jnp.float32),
            pltpu.SemaphoreType.DMA,
            pltpu.SemaphoreType.DMA,
        ],
    )


RB = 1000
GRID = N // RB


def _tc1_body(dg0, dg1, x_ref, dinvb_ref, xs_ref):
    deg = dg0[0] + dg1[0] + 1.0
    dinvb = lax.rsqrt(deg)
    dinvb_ref[...] = dinvb
    xs_ref[...] = x_ref[...] * dinvb


_tc1_call = pl.pallas_call(
    _tc1_body,
    grid=(GRID,),
    in_specs=[
        pl.BlockSpec((1, RB, D), lambda i: (0, i, 0)),
        pl.BlockSpec((1, RB, D), lambda i: (1, i, 0)),
        pl.BlockSpec((RB, D), lambda i: (i, 0)),
    ],
    out_specs=[
        pl.BlockSpec((RB, D), lambda i: (i, 0)),
        pl.BlockSpec((RB, D), lambda i: (i, 0)),
    ],
    out_shape=[
        jax.ShapeDtypeStruct((N, D), jnp.float32),
        jax.ShapeDtypeStruct((N, D), jnp.float32),
    ],
)


def _tc2_body(p0, p1, xs, dinvb, w1, bias1, w2, gs_ref):
    y1 = dinvb[...] * (p0[0] + p1[0] + xs[...])
    h = jnp.dot(y1, w1[...], preferred_element_type=jnp.float32) + bias1[...]
    h = jnp.maximum(h, 0.0)
    g = jnp.dot(h, w2[...], preferred_element_type=jnp.float32)
    gs_ref[...] = g * dinvb[...]


_tc2_call = pl.pallas_call(
    _tc2_body,
    grid=(GRID,),
    in_specs=[
        pl.BlockSpec((1, RB, D), lambda i: (0, i, 0)),
        pl.BlockSpec((1, RB, D), lambda i: (1, i, 0)),
        pl.BlockSpec((RB, D), lambda i: (i, 0)),
        pl.BlockSpec((RB, D), lambda i: (i, 0)),
        pl.BlockSpec((D, HID), lambda i: (0, 0)),
        pl.BlockSpec((1, HID), lambda i: (0, 0)),
        pl.BlockSpec((HID, D), lambda i: (0, 0)),
    ],
    out_specs=[pl.BlockSpec((RB, D), lambda i: (i, 0))],
    out_shape=[jax.ShapeDtypeStruct((N, D), jnp.float32)],
)


def _tc3_body(q0, q1, gs, dinvb, bias2, out_ref):
    out_ref[...] = dinvb[...] * (q0[0] + q1[0] + gs[...]) + bias2[...]


_tc3_call = pl.pallas_call(
    _tc3_body,
    grid=(GRID,),
    in_specs=[
        pl.BlockSpec((1, RB, D), lambda i: (0, i, 0)),
        pl.BlockSpec((1, RB, D), lambda i: (1, i, 0)),
        pl.BlockSpec((RB, D), lambda i: (i, 0)),
        pl.BlockSpec((RB, D), lambda i: (i, 0)),
        pl.BlockSpec((1, D), lambda i: (0, 0)),
    ],
    out_specs=[pl.BlockSpec((RB, D), lambda i: (i, 0))],
    out_shape=[jax.ShapeDtypeStruct((N, D), jnp.float32)],
)


def kernel(x, edge_index, W1, b1, W2, b2):
    src = edge_index[0].astype(jnp.int32)
    dst = edge_index[1].astype(jnp.int32)
    npad_e = NW * EPT - E
    pad_iota = jnp.arange(npad_e, dtype=jnp.int32)
    pad_src = pad_iota % N
    pad_dst = N + pad_iota % (NPAD - N)
    src3 = jnp.concatenate([src, pad_src]).reshape(NW, NCHUNK, CHUNK)
    dst3 = jnp.concatenate([dst, pad_dst]).reshape(NW, NCHUNK, CHUNK)
    dum = jnp.arange(NW * CHUNK, dtype=jnp.int32).reshape(NW, 1, CHUNK)
    src3 = jnp.concatenate([src3, dum % N], axis=1)
    dst3 = jnp.concatenate([dst3, N + dum % (NPAD - N)], axis=1)

    zeros_c = jnp.zeros((NPAD, D), jnp.float32)
    ones_c = jnp.ones((CHUNK, D), jnp.float32)
    degp = _deg_call()(dst3, zeros_c, ones_c).reshape(NC, NPAD, D)
    dinvb, xs = _tc1_call(degp, degp, x)
    p = _spmm_call()(src3, dst3, xs, zeros_c).reshape(NC, NPAD, D)
    (gs,) = _tc2_call(p, p, xs, dinvb, W1, b1.reshape(1, HID), W2)
    q = _spmm_call()(src3, dst3, gs, zeros_c).reshape(NC, NPAD, D)
    (out,) = _tc3_call(q, q, gs, dinvb, b2.reshape(1, D))
    return out

# --- scband reference (transcript-rebuilt; emitter-appended) ---
"""Pipeline reference for scband-label-gcn-4741643895546 (READ-ONLY COPY).

The authoritative reference and input builder live on the scoring server;
editing this copy changes nothing except your own understanding.
"""

import jax, jax.numpy as jnp
import numpy as np

NUM_NODES = 10000
IN_DIM = 128
HIDDEN_DIM = 256
NUM_EDGES = 320000


def setup_inputs(seed: int = 0) -> dict:
    key = jax.random.key(seed)
    k_x, k_e, k_w1, k_b1, k_w2, k_b2 = jax.random.split(key, 6)
    x = jax.random.normal(k_x, (NUM_NODES, IN_DIM), dtype=jnp.float32)
    edge_index = jax.random.randint(k_e, (2, NUM_EDGES), 0, NUM_NODES, dtype=jnp.int64)
    # Glorot-style init for GCN weights, zeros for bias (matches PyG defaults)
    s1 = float(np.sqrt(6.0 / (IN_DIM + HIDDEN_DIM)))
    s2 = float(np.sqrt(6.0 / (HIDDEN_DIM + IN_DIM)))
    W1 = jax.random.uniform(k_w1, (IN_DIM, HIDDEN_DIM), minval=-s1, maxval=s1, dtype=jnp.float32)
    b1 = jnp.zeros((HIDDEN_DIM,), dtype=jnp.float32)
    W2 = jax.random.uniform(k_w2, (HIDDEN_DIM, IN_DIM), minval=-s2, maxval=s2, dtype=jnp.float32)
    b2 = jnp.zeros((IN_DIM,), dtype=jnp.float32)
    return {"x": x, "edge_index": edge_index, "W1": W1, "b1": b1, "W2": W2, "b2": b2}


def _gcn_conv(x, src, dst, W, b, num_nodes):
    # GCNConv with add_self_loops=True, normalize=True (symmetric norm)
    h = x @ W
    deg = jnp.zeros((num_nodes,), dtype=h.dtype).at[dst].add(1.0)
    dinv = jnp.where(deg > 0, jax.lax.rsqrt(deg), 0.0)
    norm = dinv[src] * dinv[dst]
    msg = jnp.take(h, src, axis=0) * norm[:, None]
    out = jax.ops.segment_sum(msg, dst, num_segments=num_nodes)
    return out + b


def reference(x, edge_index, W1, b1, W2, b2):
    num_nodes = x.shape[0]
    loop = jnp.arange(num_nodes, dtype=edge_index.dtype)
    src = jnp.concatenate([edge_index[0], loop])
    dst = jnp.concatenate([edge_index[1], loop])
    h = _gcn_conv(x, src, dst, W1, b1, num_nodes)
    h = jax.nn.relu(h)
    out = _gcn_conv(h, src, dst, W2, b2, num_nodes)
    return out

if __name__ == "__main__":
    import jax
    _d = setup_inputs()
    print(jax.jit(kernel)(*tuple(_d.values())))

</pallas_src>

<mosaic_0001>
#map = affine_map<(d0, d1) -> (0, 0, 0)>
#map1 = affine_map<(d0, d1) -> (0, 0)>
module attributes {stable_mosaic.version = 14 : i64} {
  func.func @_spmm_body(%arg0: i32, %arg1: i32, %arg2: memref<32x81x128xi32, #tpu.memory_space<hbm>>, %arg3: memref<32x81x128xi32, #tpu.memory_space<hbm>>, %arg4: memref<10000x128xf32, #tpu.memory_space<hbm>>, %arg5: memref<10240x128xf32, #tpu.memory_space<hbm>>, %arg6: memref<20480x128xf32, #tpu.memory_space<hbm>>, %arg7: memref<10240x128xf32, #tpu.memory_space<vmem_shared>>, %arg8: memref<81x128xi32, #tpu.memory_space<vmem>>, %arg9: memref<128xi32, #tpu.memory_space<vmem>>, %arg10: memref<128xi32, #tpu.memory_space<vmem>>, %arg11: memref<128x128xf32, #tpu.memory_space<vmem>>, %arg12: memref<128x128xf32, #tpu.memory_space<vmem>>, %arg13: memref<!tpu.dma_semaphore, #tpu.memory_space<semaphore_mem>>, %arg14: memref<!tpu.dma_semaphore, #tpu.memory_space<semaphore_mem>>) attributes {dimension_semantics = [#tpu.dimension_semantics<core_parallel>, #tpu.dimension_semantics<subcore_parallel>], iteration_bounds = array<i64: 2, 16>, scalar_prefetch = 0 : i64, scratch_operands = 8 : i64, tpu.core_type = #tpu.core_type<sc_vector_subcore>, window_params = [{transform_indices = #map}, {transform_indices = #map}, {transform_indices = #map1}, {transform_indices = #map1}, {transform_indices = #map1}]} {
    %mul3A = arith.constant 16 : i32
    %mul3A_0 = arith.muli %arg0, %mul3A : i32
    %add3A = arith.addi %mul3A_0, %arg1 : i32
    %mul3A_1 = arith.constant 640 : i32
    %mul3A_2 = arith.muli %arg1, %mul3A_1 : i32
    %mul3A_3 = arith.constant 640 : i32
    %mul3A_4 = arith.muli %arg1, %mul3A_3 : i32
    "tpu.region"() ({
      %run_scoped3A_30 = tpu.sem_alloc : memref<!tpu.dma_semaphore, #tpu.memory_space<semaphore_mem>>
      %dma_start3A_31 = arith.constant 0 : i32
      %dma_start3A_32 = tpu.memref_slice %arg7[%mul3A_4, %dma_start3A_31] : memref<10240x128xf32, #tpu.memory_space<vmem_shared>> -> memref<640x128xf32, #tpu.memory_space<vmem_shared>>
      %dma_start3A_33 = arith.constant 0 : i32
      %dma_start3A_34 = tpu.memref_slice %arg5[%mul3A_2, %dma_start3A_33] : memref<10240x128xf32, #tpu.memory_space<hbm>> -> memref<640x128xf32, #tpu.memory_space<hbm>>
      tpu.enqueue_dma source(%dma_start3A_34 : memref<640x128xf32, #tpu.memory_space<hbm>>) target(%dma_start3A_32 : memref<640x128xf32, #tpu.memory_space<vmem_shared>>) target_semaphore(%run_scoped3A_30 : memref<!tpu.dma_semaphore, #tpu.memory_space<semaphore_mem>>)
      %dma_wait3A_35 = arith.constant 0 : i32
      %dma_wait3A_36 = tpu.memref_slice %arg7[%mul3A_4, %dma_wait3A_35] : memref<10240x128xf32, #tpu.memory_space<vmem_shared>> -> memref<640x128xf32, #tpu.memory_space<vmem_shared>>
      %dma_wait3A_37 = arith.constant 0 : i32
      %dma_wait3A_38 = tpu.memref_slice %arg5[%mul3A_2, %dma_wait3A_37] : memref<10240x128xf32, #tpu.memory_space<hbm>> -> memref<640x128xf32, #tpu.memory_space<hbm>>
      tpu.wait_dma2 semaphore(%run_scoped3A_30 : memref<!tpu.dma_semaphore, #tpu.memory_space<semaphore_mem>>) src(%dma_wait3A_38 : memref<640x128xf32, #tpu.memory_space<hbm>>) dst(%dma_wait3A_36 : memref<640x128xf32, #tpu.memory_space<vmem_shared>>)
      tpu.yield
    }) : () -> ()
    "tpu.region"() ({
      %run_scoped3A_30 = tpu.sem_alloc : memref<!tpu.dma_semaphore, #tpu.memory_space<semaphore_mem>>
      %dma_start3A_31 = arith.constant 0 : i32
      %dma_start3A_32 = arith.constant 0 : i32
      %dma_start3A_33 = tpu.memref_slice %arg2[%add3A, %dma_start3A_31, %dma_start3A_32] : memref<32x81x128xi32, #tpu.memory_space<hbm>> -> memref<1x81x128xi32, #tpu.memory_space<hbm>>
      %dma_start3A_34 = tpu.memref_squeeze %dma_start3A_33 : memref<1x81x128xi32, #tpu.memory_space<hbm>> -> memref<81x128xi32, #tpu.memory_space<hbm>>
      %dma_start3A_35 = arith.constant 0 : i32
      %dma_start3A_36 = arith.constant 0 : i32
      %dma_start3A_37 = tpu.memref_slice %arg2[%add3A, %dma_start3A_35, %dma_start3A_36] : memref<32x81x128xi32, #tpu.memory_space<hbm>> -> memref<1x81x128xi32, #tpu.memory_space<hbm>>
      %dma_start3A_38 = tpu.memref_squeeze %dma_start3A_37 : memref<1x81x128xi32, #tpu.memory_space<hbm>> -> memref<81x128xi32, #tpu.memory_space<hbm>>
      tpu.enqueue_dma source(%dma_start3A_38 : memref<81x128xi32, #tpu.memory_space<hbm>>) target(%arg8 : memref<81x128xi32, #tpu.memory_space<vmem>>) target_semaphore(%run_scoped3A_30 : memref<!tpu.dma_semaphore, #tpu.memory_space<semaphore_mem>>)
      %dma_wait3A_39 = arith.constant 0 : i32
      %dma_wait3A_40 = arith.constant 0 : i32
      %dma_wait3A_41 = tpu.memref_slice %arg2[%add3A, %dma_wait3A_39, %dma_wait3A_40] : memref<32x81x128xi32, #tpu.memory_space<hbm>> -> memref<1x81x128xi32, #tpu.memory_space<hbm>>
      %dma_wait3A_42 = tpu.memref_squeeze %dma_wait3A_41 : memref<1x81x128xi32, #tpu.memory_space<hbm>> -> memref<81x128xi32, #tpu.memory_space<hbm>>
      %dma_wait3A_43 = arith.constant 0 : i32
      %dma_wait3A_44 = arith.constant 0 : i32
      %dma_wait3A_45 = tpu.memref_slice %arg2[%add3A, %dma_wait3A_43, %dma_wait3A_44] : memref<32x81x128xi32, #tpu.memory_space<hbm>> -> memref<1x81x128xi32, #tpu.memory_space<hbm>>
      %dma_wait3A_46 = tpu.memref_squeeze %dma_wait3A_45 : memref<1x81x128xi32, #tpu.memory_space<hbm>> -> memref<81x128xi32, #tpu.memory_space<hbm>>
      tpu.wait_dma2 semaphore(%run_scoped3A_30 : memref<!tpu.dma_semaphore, #tpu.memory_space<semaphore_mem>>) src(%dma_wait3A_46 : memref<81x128xi32, #tpu.memory_space<hbm>>) dst(%arg8 : memref<81x128xi32, #tpu.memory_space<vmem>>)
      tpu.yield
    }) : () -> ()
    %barrier3A = arith.constant 0 : index
    tpu.barrier barrier_id(%barrier3A)
    %run_scoped3A = arith.constant 0 : i32
    "tpu.region"() ({
      %run_scoped3A_30 = tpu.sem_alloc : memref<!tpu.dma_semaphore, #tpu.memory_space<semaphore_mem>>
      %dma_start3A_31 = arith.constant 0 : i32
      %dma_start3A_32 = arith.constant 0 : i32
      %dma_start3A_33 = tpu.memref_slice %arg3[%add3A, %dma_start3A_31, %dma_start3A_32] : memref<32x81x128xi32, #tpu.memory_space<hbm>> -> memref<1x81x128xi32, #tpu.memory_space<hbm>>
      %dma_start3A_34 = tpu.memref_squeeze %dma_start3A_33 : memref<1x81x128xi32, #tpu.memory_space<hbm>> -> memref<81x128xi32, #tpu.memory_space<hbm>>
      %dma_start3A_35 = arith.constant 0 : i32
      %dma_start3A_36 = tpu.memref_slice %dma_start3A_34[%run_scoped3A, %dma_start3A_35] : memref<81x128xi32, #tpu.memory_space<hbm>> -> memref<1x128xi32, #tpu.memory_space<hbm>>
      %dma_start3A_37 = tpu.memref_squeeze %dma_start3A_36 : memref<1x128xi32, #tpu.memory_space<hbm>> -> memref<128xi32, #tpu.memory_space<hbm>>
      %dma_start3A_38 = arith.constant 0 : i32
      %dma_start3A_39 = arith.constant 0 : i32
      %dma_start3A_40 = tpu.memref_slice %arg3[%add3A, %dma_start3A_38, %dma_start3A_39] : memref<32x81x128xi32, #tpu.memory_space<hbm>> -> memref<1x81x128xi32, #tpu.memory_space<hbm>>
      %dma_start3A_41 = tpu.memref_squeeze %dma_start3A_40 : memref<1x81x128xi32, #tpu.memory_space<hbm>> -> memref<81x128xi32, #tpu.memory_space<hbm>>
      %dma_start3A_42 = arith.constant 0 : i32
      %dma_start3A_43 = tpu.memref_slice %dma_start3A_41[%run_scoped3A, %dma_start3A_42] : memref<81x128xi32, #tpu.memory_space<hbm>> -> memref<1x128xi32, #tpu.memory_space<hbm>>
      %dma_start3A_44 = tpu.memref_squeeze %dma_start3A_43 : memref<1x128xi32, #tpu.memory_space<hbm>> -> memref<128xi32, #tpu.memory_space<hbm>>
      tpu.enqueue_dma source(%dma_start3A_44 : memref<128xi32, #tpu.memory_space<hbm>>) target(%arg9 : memref<128xi32, #tpu.memory_space<vmem>>) target_semaphore(%run_scoped3A_30 : memref<!tpu.dma_semaphore, #tpu.memory_space<semaphore_mem>>)
      %dma_wait3A_45 = arith.constant 0 : i32
      %dma_wait3A_46 = arith.constant 0 : i32
      %dma_wait3A_47 = tpu.memref_slice %arg3[%add3A, %dma_wait3A_45, %dma_wait3A_46] : memref<32x81x128xi32, #tpu.memory_space<hbm>> -> memref<1x81x128xi32, #tpu.memory_space<hbm>>
      %dma_wait3A_48 = tpu.memref_squeeze %dma_wait3A_47 : memref<1x81x128xi32, #tpu.memory_space<hbm>> -> memref<81x128xi32, #tpu.memory_space<hbm>>
      %dma_wait3A_49 = arith.constant 0 : i32
      %dma_wait3A_50 = tpu.memref_slice %dma_wait3A_48[%run_scoped3A, %dma_wait3A_49] : memref<81x128xi32, #tpu.memory_space<hbm>> -> memref<1x128xi32, #tpu.memory_space<hbm>>
      %dma_wait3A_51 = tpu.memref_squeeze %dma_wait3A_50 : memref<1x128xi32, #tpu.memory_space<hbm>> -> memref<128xi32, #tpu.memory_space<hbm>>
      %dma_wait3A_52 = arith.constant 0 : i32
      %dma_wait3A_53 = arith.constant 0 : i32
      %dma_wait3A_54 = tpu.memref_slice %arg3[%add3A, %dma_wait3A_52, %dma_wait3A_53] : memref<32x81x128xi32, #tpu.memory_space<hbm>> -> memref<1x81x128xi32, #tpu.memory_space<hbm>>
      %dma_wait3A_55 = tpu.memref_squeeze %dma_wait3A_54 : memref<1x81x128xi32, #tpu.memory_space<hbm>> -> memref<81x128xi32, #tpu.memory_space<hbm>>
      %dma_wait3A_56 = arith.constant 0 : i32
      %dma_wait3A_57 = tpu.memref_slice %dma_wait3A_55[%run_scoped3A, %dma_wait3A_56] : memref<81x128xi32, #tpu.memory_space<hbm>> -> memref<1x128xi32, #tpu.memory_space<hbm>>
      %dma_wait3A_58 = tpu.memref_squeeze %dma_wait3A_57 : memref<1x128xi32, #tpu.memory_space<hbm>> -> memref<128xi32, #tpu.memory_space<hbm>>
      tpu.wait_dma2 semaphore(%run_scoped3A_30 : memref<!tpu.dma_semaphore, #tpu.memory_space<semaphore_mem>>) src(%dma_wait3A_58 : memref<128xi32, #tpu.memory_space<hbm>>) dst(%arg9 : memref<128xi32, #tpu.memory_space<vmem>>)
      tpu.yield
    }) : () -> ()
    %dma_start3A = arith.constant 0 : i32
    %dma_start3A_5 = arith.constant 0 : i32
    %dma_start3A_6 = tpu.memref_slice %arg8[%dma_start3A, %dma_start3A_5] : memref<81x128xi32, #tpu.memory_space<vmem>> -> memref<1x128xi32, #tpu.memory_space<vmem>>
    %dma_start3A_7 = tpu.memref_squeeze %dma_start3A_6 : memref<1x128xi32, #tpu.memory_space<vmem>> -> memref<128xi32, #tpu.memory_space<vmem>>
    %dma_start3A_8 = arith.constant 0 : i32
    %dma_start3A_9 = arith.constant 0 : i32
    %dma_start3A_10 = tpu.memref_slice %arg4[%dma_start3A_8, %dma_start3A_9] : memref<10000x128xf32, #tpu.memory_space<hbm>> -> memref<10000x128xf32, #tpu.memory_space<hbm>>
    tpu.enqueue_indirect_dma source(%dma_start3A_10 : memref<10000x128xf32, #tpu.memory_space<hbm>>) target(%arg11 : memref<128x128xf32, #tpu.memory_space<vmem>>) offsets(%dma_start3A_7 : memref<128xi32, #tpu.memory_space<vmem>>) semaphore(%arg13 : memref<!tpu.dma_semaphore, #tpu.memory_space<semaphore_mem>>)
    %scan3A = arith.constant 0 : i32
    %scan3A_11 = arith.constant 0 : i32
    %scan3A_12 = arith.constant 40 : i32
    %scan3A_13 = arith.addi %scan3A_11, %scan3A_12 : i32
    %scan3A_14 = arith.constant 1 : i32
    scf.for %scan3A_30 = %scan3A_11 to %scan3A_13 step %scan3A_14  : i32 {
      %mul3A_31 = arith.constant 2 : i32
      %mul3A_32 = arith.muli %mul3A_31, %scan3A_30 : i32
      %add3A_33 = arith.constant 1 : i32
      %add3A_34 = arith.addi %mul3A_32, %add3A_33 : i32
      %dma_start3A_35 = arith.constant 0 : i32
      %dma_start3A_36 = tpu.memref_slice %arg8[%add3A_34, %dma_start3A_35] : memref<81x128xi32, #tpu.memory_space<vmem>> -> memref<1x128xi32, #tpu.memory_space<vmem>>
      %dma_start3A_37 = tpu.memref_squeeze %dma_start3A_36 : memref<1x128xi32, #tpu.memory_space<vmem>> -> memref<128xi32, #tpu.memory_space<vmem>>
      %dma_start3A_38 = arith.constant 0 : i32
      %dma_start3A_39 = arith.constant 0 : i32
      %dma_start3A_40 = tpu.memref_slice %arg4[%dma_start3A_38, %dma_start3A_39] : memref<10000x128xf32, #tpu.memory_space<hbm>> -> memref<10000x128xf32, #tpu.memory_space<hbm>>
      tpu.enqueue_indirect_dma source(%dma_start3A_40 : memref<10000x128xf32, #tpu.memory_space<hbm>>) target(%arg12 : memref<128x128xf32, #tpu.memory_space<vmem>>) offsets(%dma_start3A_37 : memref<128xi32, #tpu.memory_space<vmem>>) semaphore(%arg14 : memref<!tpu.dma_semaphore, #tpu.memory_space<semaphore_mem>>)
      %add3A_41 = arith.constant 1 : i32
      %add3A_42 = arith.addi %mul3A_32, %add3A_41 : i32
      "tpu.region"() ({
        %run_scoped3A_67 = tpu.sem_alloc : memref<!tpu.dma_semaphore, #tpu.memory_space<semaphore_mem>>
        %dma_start3A_68 = arith.constant 0 : i32
        %dma_start3A_69 = arith.constant 0 : i32
        %dma_start3A_70 = tpu.memref_slice %arg3[%add3A, %dma_start3A_68, %dma_start3A_69] : memref<32x81x128xi32, #tpu.memory_space<hbm>> -> memref<1x81x128xi32, #tpu.memory_space<hbm>>
        %dma_start3A_71 = tpu.memref_squeeze %dma_start3A_70 : memref<1x81x128xi32, #tpu.memory_space<hbm>> -> memref<81x128xi32, #tpu.memory_space<hbm>>
        %dma_start3A_72 = arith.constant 0 : i32
        %dma_start3A_73 = tpu.memref_slice %dma_start3A_71[%add3A_42, %dma_start3A_72] : memref<81x128xi32, #tpu.memory_space<hbm>> -> memref<1x128xi32, #tpu.memory_space<hbm>>
        %dma_start3A_74 = tpu.memref_squeeze %dma_start3A_73 : memref<1x128xi32, #tpu.memory_space<hbm>> -> memref<128xi32, #tpu.memory_space<hbm>>
        %dma_start3A_75 = arith.constant 0 : i32
        %dma_start3A_76 = arith.constant 0 : i32
        %dma_start3A_77 = tpu.memref_slice %arg3[%add3A, %dma_start3A_75, %dma_start3A_76] : memref<32x81x128xi32, #tpu.memory_space<hbm>> -> memref<1x81x128xi32, #tpu.memory_space<hbm>>
        %dma_start3A_78 = tpu.memref_squeeze %dma_start3A_77 : memref<1x81x128xi32, #tpu.memory_space<hbm>> -> memref<81x128xi32, #tpu.memory_space<hbm>>
        %dma_start3A_79 = arith.constant 0 : i32
        %dma_start3A_80 = tpu.memref_slice %dma_start3A_78[%add3A_42, %dma_start3A_79] : memref<81x128xi32, #tpu.memory_space<hbm>> -> memref<1x128xi32, #tpu.memory_space<hbm>>
        %dma_start3A_81 = tpu.memref_squeeze %dma_start3A_80 : memref<1x128xi32, #tpu.memory_space<hbm>> -> memref<128xi32, #tpu.memory_space<hbm>>
        tpu.enqueue_dma source(%dma_start3A_81 : memref<128xi32, #tpu.memory_space<hbm>>) target(%arg10 : memref<128xi32, #tpu.memory_space<vmem>>) target_semaphore(%run_scoped3A_67 : memref<!tpu.dma_semaphore, #tpu.memory_space<semaphore_mem>>)
        %dma_wait3A_82 = arith.constant 0 : i32
        %dma_wait3A_83 = arith.constant 0 : i32
        %dma_wait3A_84 = tpu.memref_slice %arg3[%add3A, %dma_wait3A_82, %dma_wait3A_83] : memref<32x81x128xi32, #tpu.memory_space<hbm>> -> memref<1x81x128xi32, #tpu.memory_space<hbm>>
        %dma_wait3A_85 = tpu.memref_squeeze %dma_wait3A_84 : memref<1x81x128xi32, #tpu.memory_space<hbm>> -> memref<81x128xi32, #tpu.memory_space<hbm>>
        %dma_wait3A_86 = arith.constant 0 : i32
        %dma_wait3A_87 = tpu.memref_slice %dma_wait3A_85[%add3A_42, %dma_wait3A_86] : memref<81x128xi32, #tpu.memory_space<hbm>> -> memref<1x128xi32, #tpu.memory_space<hbm>>
        %dma_wait3A_88 = tpu.memref_squeeze %dma_wait3A_87 : memref<1x128xi32, #tpu.memory_space<hbm>> -> memref<128xi32, #tpu.memory_space<hbm>>
        %dma_wait3A_89 = arith.constant 0 : i32
        %dma_wait3A_90 = arith.constant 0 : i32
        %dma_wait3A_91 = tpu.memref_slice %arg3[%add3A, %dma_wait3A_89, %dma_wait3A_90] : memref<32x81x128xi32, #tpu.memory_space<hbm>> -> memref<1x81x128xi32, #tpu.memory_space<hbm>>
        %dma_wait3A_92 = tpu.memref_squeeze %dma_wait3A_91 : memref<1x81x128xi32, #tpu.memory_space<hbm>> -> memref<81x128xi32, #tpu.memory_space<hbm>>
        %dma_wait3A_93 = arith.constant 0 : i32
        %dma_wait3A_94 = tpu.memref_slice %dma_wait3A_92[%add3A_42, %dma_wait3A_93] : memref<81x128xi32, #tpu.memory_space<hbm>> -> memref<1x128xi32, #tpu.memory_space<hbm>>
        %dma_wait3A_95 = tpu.memref_squeeze %dma_wait3A_94 : memref<1x128xi32, #tpu.memory_space<hbm>> -> memref<128xi32, #tpu.memory_space<hbm>>
        tpu.wait_dma2 semaphore(%run_scoped3A_67 : memref<!tpu.dma_semaphore, #tpu.memory_space<semaphore_mem>>) src(%dma_wait3A_95 : memref<128xi32, #tpu.memory_space<hbm>>) dst(%arg10 : memref<128xi32, #tpu.memory_space<vmem>>)
        tpu.yield
      }) : () -> ()
      %dma_wait3A_43 = arith.constant 0 : i32
      %dma_wait3A_44 = tpu.memref_slice %arg8[%mul3A_32, %dma_wait3A_43] : memref<81x128xi32, #tpu.memory_space<vmem>> -> memref<1x128xi32, #tpu.memory_space<vmem>>
      %dma_wait3A_45 = tpu.memref_squeeze %dma_wait3A_44 : memref<1x128xi32, #tpu.memory_space<vmem>> -> memref<128xi32, #tpu.memory_space<vmem>>
      %dma_wait3A_46 = arith.constant 0 : i32
      %dma_wait3A_47 = arith.constant 0 : i32
      %dma_wait3A_48 = tpu.memref_slice %arg4[%dma_wait3A_46, %dma_wait3A_47] : memref<10000x128xf32, #tpu.memory_space<hbm>> -> memref<10000x128xf32, #tpu.memory_space<hbm>>
      tpu.wait_indirect_dma semaphore(%arg13 : memref<!tpu.dma_semaphore, #tpu.memory_space<semaphore_mem>>) src(%dma_wait3A_48 : memref<10000x128xf32, #tpu.memory_space<hbm>>) dst(%arg11 : memref<128x128xf32, #tpu.memory_space<vmem>>)
      "tpu.region"() ({
        %run_scoped3A_67 = tpu.sem_alloc : memref<!tpu.dma_semaphore, #tpu.memory_space<semaphore_mem>>
        %dma_start3A_68 = arith.constant 0 : i32
        %dma_start3A_69 = arith.constant 0 : i32
        %dma_start3A_70 = tpu.memref_slice %arg7[%dma_start3A_68, %dma_start3A_69] : memref<10240x128xf32, #tpu.memory_space<vmem_shared>> -> memref<10240x128xf32, #tpu.memory_space<vmem_shared>>
        tpu.enqueue_indirect_dma source(%arg11 : memref<128x128xf32, #tpu.memory_space<vmem>>) target(%dma_start3A_70 : memref<10240x128xf32, #tpu.memory_space<vmem_shared>>) offsets(%arg9 : memref<128xi32, #tpu.memory_space<vmem>>) semaphore(%run_scoped3A_67 : memref<!tpu.dma_semaphore, #tpu.memory_space<semaphore_mem>>) {add = true}
        %dma_wait3A_71 = arith.constant 0 : i32
        %dma_wait3A_72 = arith.constant 0 : i32
        %dma_wait3A_73 = tpu.memref_slice %arg7[%dma_wait3A_71, %dma_wait3A_72] : memref<10240x128xf32, #tpu.memory_space<vmem_shared>> -> memref<10240x128xf32, #tpu.memory_space<vmem_shared>>
        tpu.wait_indirect_dma semaphore(%run_scoped3A_67 : memref<!tpu.dma_semaphore, #tpu.memory_space<semaphore_mem>>) src(%arg11 : memref<128x128xf32, #tpu.memory_space<vmem>>) dst(%dma_wait3A_73 : memref<10240x128xf32, #tpu.memory_space<vmem_shared>>)
        tpu.yield
      }) : () -> ()
      %add3A_49 = arith.constant 2 : i32
      %add3A_50 = arith.addi %mul3A_32, %add3A_49 : i32
      %dma_start3A_51 = arith.constant 0 : i32
      %dma_start3A_52 = tpu.memref_slice %arg8[%add3A_50, %dma_start3A_51] : memref<81x128xi32, #tpu.memory_space<vmem>> -> memref<1x128xi32, #tpu.memory_space<vmem>>
      %dma_start3A_53 = tpu.memref_squeeze %dma_start3A_52 : memref<1x128xi32, #tpu.memory_space<vmem>> -> memref<128xi32, #tpu.memory_space<vmem>>
      %dma_start3A_54 = arith.constant 0 : i32
      %dma_start3A_55 = arith.constant 0 : i32
      %dma_start3A_56 = tpu.memref_slice %arg4[%dma_start3A_54, %dma_start3A_55] : memref<10000x128xf32, #tpu.memory_space<hbm>> -> memref<10000x128xf32, #tpu.memory_space<hbm>>
      tpu.enqueue_indirect_dma source(%dma_start3A_56 : memref<10000x128xf32, #tpu.memory_space<hbm>>) target(%arg11 : memref<128x128xf32, #tpu.memory_space<vmem>>) offsets(%dma_start3A_53 : memref<128xi32, #tpu.memory_space<vmem>>) semaphore(%arg13 : memref<!tpu.dma_semaphore, #tpu.memory_space<semaphore_mem>>)
      %add3A_57 = arith.constant 2 : i32
      %add3A_58 = arith.addi %mul3A_32, %add3A_57 : i32
      "tpu.region"() ({
        %run_scoped3A_67 = tpu.sem_alloc : memref<!tpu.dma_semaphore, #tpu.memory_space<semaphore_mem>>
        %dma_start3A_68 = arith.constant 0 : i32
        %dma_start3A_69 = arith.constant 0 : i32
        %dma_start3A_70 = tpu.memref_slice %arg3[%add3A, %dma_start3A_68, %dma_start3A_69] : memref<32x81x128xi32, #tpu.memory_space<hbm>> -> memref<1x81x128xi32, #tpu.memory_space<hbm>>
        %dma_start3A_71 = tpu.memref_squeeze %dma_start3A_70 : memref<1x81x128xi32, #tpu.memory_space<hbm>> -> memref<81x128xi32, #tpu.memory_space<hbm>>
        %dma_start3A_72 = arith.constant 0 : i32
        %dma_start3A_73 = tpu.memref_slice %dma_start3A_71[%add3A_58, %dma_start3A_72] : memref<81x128xi32, #tpu.memory_space<hbm>> -> memref<1x128xi32, #tpu.memory_space<hbm>>
        %dma_start3A_74 = tpu.memref_squeeze %dma_start3A_73 : memref<1x128xi32, #tpu.memory_space<hbm>> -> memref<128xi32, #tpu.memory_space<hbm>>
        %dma_start3A_75 = arith.constant 0 : i32
        %dma_start3A_76 = arith.constant 0 : i32
        %dma_start3A_77 = tpu.memref_slice %arg3[%add3A, %dma_start3A_75, %dma_start3A_76] : memref<32x81x128xi32, #tpu.memory_space<hbm>> -> memref<1x81x128xi32, #tpu.memory_space<hbm>>
        %dma_start3A_78 = tpu.memref_squeeze %dma_start3A_77 : memref<1x81x128xi32, #tpu.memory_space<hbm>> -> memref<81x128xi32, #tpu.memory_space<hbm>>
        %dma_start3A_79 = arith.constant 0 : i32
        %dma_start3A_80 = tpu.memref_slice %dma_start3A_78[%add3A_58, %dma_start3A_79] : memref<81x128xi32, #tpu.memory_space<hbm>> -> memref<1x128xi32, #tpu.memory_space<hbm>>
        %dma_start3A_81 = tpu.memref_squeeze %dma_start3A_80 : memref<1x128xi32, #tpu.memory_space<hbm>> -> memref<128xi32, #tpu.memory_space<hbm>>
        tpu.enqueue_dma source(%dma_start3A_81 : memref<128xi32, #tpu.memory_space<hbm>>) target(%arg9 : memref<128xi32, #tpu.memory_space<vmem>>) target_semaphore(%run_scoped3A_67 : memref<!tpu.dma_semaphore, #tpu.memory_space<semaphore_mem>>)
        %dma_wait3A_82 = arith.constant 0 : i32
        %dma_wait3A_83 = arith.constant 0 : i32
        %dma_wait3A_84 = tpu.memref_slice %arg3[%add3A, %dma_wait3A_82, %dma_wait3A_83] : memref<32x81x128xi32, #tpu.memory_space<hbm>> -> memref<1x81x128xi32, #tpu.memory_space<hbm>>
        %dma_wait3A_85 = tpu.memref_squeeze %dma_wait3A_84 : memref<1x81x128xi32, #tpu.memory_space<hbm>> -> memref<81x128xi32, #tpu.memory_space<hbm>>
        %dma_wait3A_86 = arith.constant 0 : i32
        %dma_wait3A_87 = tpu.memref_slice %dma_wait3A_85[%add3A_58, %dma_wait3A_86] : memref<81x128xi32, #tpu.memory_space<hbm>> -> memref<1x128xi32, #tpu.memory_space<hbm>>
        %dma_wait3A_88 = tpu.memref_squeeze %dma_wait3A_87 : memref<1x128xi32, #tpu.memory_space<hbm>> -> memref<128xi32, #tpu.memory_space<hbm>>
        %dma_wait3A_89 = arith.constant 0 : i32
        %dma_wait3A_90 = arith.constant 0 : i32
        %dma_wait3A_91 = tpu.memref_slice %arg3[%add3A, %dma_wait3A_89, %dma_wait3A_90] : memref<32x81x128xi32, #tpu.memory_space<hbm>> -> memref<1x81x128xi32, #tpu.memory_space<hbm>>
        %dma_wait3A_92 = tpu.memref_squeeze %dma_wait3A_91 : memref<1x81x128xi32, #tpu.memory_space<hbm>> -> memref<81x128xi32, #tpu.memory_space<hbm>>
        %dma_wait3A_93 = arith.constant 0 : i32
        %dma_wait3A_94 = tpu.memref_slice %dma_wait3A_92[%add3A_58, %dma_wait3A_93] : memref<81x128xi32, #tpu.memory_space<hbm>> -> memref<1x128xi32, #tpu.memory_space<hbm>>
        %dma_wait3A_95 = tpu.memref_squeeze %dma_wait3A_94 : memref<1x128xi32, #tpu.memory_space<hbm>> -> memref<128xi32, #tpu.memory_space<hbm>>
        tpu.wait_dma2 semaphore(%run_scoped3A_67 : memref<!tpu.dma_semaphore, #tpu.memory_space<semaphore_mem>>) src(%dma_wait3A_95 : memref<128xi32, #tpu.memory_space<hbm>>) dst(%arg9 : memref<128xi32, #tpu.memory_space<vmem>>)
        tpu.yield
      }) : () -> ()
      %add3A_59 = arith.constant 1 : i32
      %add3A_60 = arith.addi %mul3A_32, %add3A_59 : i32
      %dma_wait3A_61 = arith.constant 0 : i32
      %dma_wait3A_62 = tpu.memref_slice %arg8[%add3A_60, %dma_wait3A_61] : memref<81x128xi32, #tpu.memory_space<vmem>> -> memref<1x128xi32, #tpu.memory_space<vmem>>
      %dma_wait3A_63 = tpu.memref_squeeze %dma_wait3A_62 : memref<1x128xi32, #tpu.memory_space<vmem>> -> memref<128xi32, #tpu.memory_space<vmem>>
      %dma_wait3A_64 = arith.constant 0 : i32
      %dma_wait3A_65 = arith.constant 0 : i32
      %dma_wait3A_66 = tpu.memref_slice %arg4[%dma_wait3A_64, %dma_wait3A_65] : memref<10000x128xf32, #tpu.memory_space<hbm>> -> memref<10000x128xf32, #tpu.memory_space<hbm>>
      tpu.wait_indirect_dma semaphore(%arg14 : memref<!tpu.dma_semaphore, #tpu.memory_space<semaphore_mem>>) src(%dma_wait3A_66 : memref<10000x128xf32, #tpu.memory_space<hbm>>) dst(%arg12 : memref<128x128xf32, #tpu.memory_space<vmem>>)
      "tpu.region"() ({
        %run_scoped3A_67 = tpu.sem_alloc : memref<!tpu.dma_semaphore, #tpu.memory_space<semaphore_mem>>
        %dma_start3A_68 = arith.constant 0 : i32
        %dma_start3A_69 = arith.constant 0 : i32
        %dma_start3A_70 = tpu.memref_slice %arg7[%dma_start3A_68, %dma_start3A_69] : memref<10240x128xf32, #tpu.memory_space<vmem_shared>> -> memref<10240x128xf32, #tpu.memory_space<vmem_shared>>
        tpu.enqueue_indirect_dma source(%arg12 : memref<128x128xf32, #tpu.memory_space<vmem>>) target(%dma_start3A_70 : memref<10240x128xf32, #tpu.memory_space<vmem_shared>>) offsets(%arg10 : memref<128xi32, #tpu.memory_space<vmem>>) semaphore(%run_scoped3A_67 : memref<!tpu.dma_semaphore, #tpu.memory_space<semaphore_mem>>) {add = true}
        %dma_wait3A_71 = arith.constant 0 : i32
        %dma_wait3A_72 = arith.constant 0 : i32
        %dma_wait3A_73 = tpu.memref_slice %arg7[%dma_wait3A_71, %dma_wait3A_72] : memref<10240x128xf32, #tpu.memory_space<vmem_shared>> -> memref<10240x128xf32, #tpu.memory_space<vmem_shared>>
        tpu.wait_indirect_dma semaphore(%run_scoped3A_67 : memref<!tpu.dma_semaphore, #tpu.memory_space<semaphore_mem>>) src(%arg12 : memref<128x128xf32, #tpu.memory_space<vmem>>) dst(%dma_wait3A_73 : memref<10240x128xf32, #tpu.memory_space<vmem_shared>>)
        tpu.yield
      }) : () -> ()
    }
    %scan3A_15 = arith.constant 40 : i32
    %dma_wait3A = arith.constant 80 : i32
    %dma_wait3A_16 = arith.constant 0 : i32
    %dma_wait3A_17 = tpu.memref_slice %arg8[%dma_wait3A, %dma_wait3A_16] : memref<81x128xi32, #tpu.memory_space<vmem>> -> memref<1x128xi32, #tpu.memory_space<vmem>>
    %dma_wait3A_18 = tpu.memref_squeeze %dma_wait3A_17 : memref<1x128xi32, #tpu.memory_space<vmem>> -> memref<128xi32, #tpu.memory_space<vmem>>
    %dma_wait3A_19 = arith.constant 0 : i32
    %dma_wait3A_20 = arith.constant 0 : i32
    %dma_wait3A_21 = tpu.memref_slice %arg4[%dma_wait3A_19, %dma_wait3A_20] : memref<10000x128xf32, #tpu.memory_space<hbm>> -> memref<10000x128xf32, #tpu.memory_space<hbm>>
    tpu.wait_indirect_dma semaphore(%arg13 : memref<!tpu.dma_semaphore, #tpu.memory_space<semaphore_mem>>) src(%dma_wait3A_21 : memref<10000x128xf32, #tpu.memory_space<hbm>>) dst(%arg11 : memref<128x128xf32, #tpu.memory_space<vmem>>)
    %barrier3A_22 = arith.constant 0 : index
    tpu.barrier barrier_id(%barrier3A_22)
    %mul3A_23 = arith.constant 640 : i32
    %mul3A_24 = arith.muli %arg1, %mul3A_23 : i32
    %mul3A_25 = arith.constant 10240 : i32
    %mul3A_26 = arith.muli %arg0, %mul3A_25 : i32
    %mul3A_27 = arith.constant 640 : i32
    %mul3A_28 = arith.muli %arg1, %mul3A_27 : i32
    %add3A_29 = arith.addi %mul3A_26, %mul3A_28 : i32
    "tpu.region"() ({
      %run_scoped3A_30 = tpu.sem_alloc : memref<!tpu.dma_semaphore, #tpu.memory_space<semaphore_mem>>
      %dma_start3A_31 = arith.constant 0 : i32
      %dma_start3A_32 = tpu.memref_slice %arg6[%add3A_29, %dma_start3A_31] : memref<20480x128xf32, #tpu.memory_space<hbm>> -> memref<640x128xf32, #tpu.memory_space<hbm>>
      %dma_start3A_33 = arith.constant 0 : i32
      %dma_start3A_34 = tpu.memref_slice %arg7[%mul3A_24, %dma_start3A_33] : memref<10240x128xf32, #tpu.memory_space<vmem_shared>> -> memref<640x128xf32, #tpu.memory_space<vmem_shared>>
      tpu.enqueue_dma source(%dma_start3A_34 : memref<640x128xf32, #tpu.memory_space<vmem_shared>>) target(%dma_start3A_32 : memref<640x128xf32, #tpu.memory_space<hbm>>) target_semaphore(%run_scoped3A_30 : memref<!tpu.dma_semaphore, #tpu.memory_space<semaphore_mem>>)
      %dma_wait3A_35 = arith.constant 0 : i32
      %dma_wait3A_36 = tpu.memref_slice %arg6[%add3A_29, %dma_wait3A_35] : memref<20480x128xf32, #tpu.memory_space<hbm>> -> memref<640x128xf32, #tpu.memory_space<hbm>>
      %dma_wait3A_37 = arith.constant 0 : i32
      %dma_wait3A_38 = tpu.memref_slice %arg7[%mul3A_24, %dma_wait3A_37] : memref<10240x128xf32, #tpu.memory_space<vmem_shared>> -> memref<640x128xf32, #tpu.memory_space<vmem_shared>>
      tpu.wait_dma2 semaphore(%run_scoped3A_30 : memref<!tpu.dma_semaphore, #tpu.memory_space<semaphore_mem>>) src(%dma_wait3A_38 : memref<640x128xf32, #tpu.memory_space<vmem_shared>>) dst(%dma_wait3A_36 : memref<640x128xf32, #tpu.memory_space<hbm>>)
      tpu.yield
    }) : () -> ()
    return
  }
}

#map = affine_map<(d0, d1) -> (0, 0, 0)>
#map1 = affine_map<(d0, d1) -> (0, 0)>
module attributes {stable_mosaic.version = 14 : i64} {
  func.func @_deg_body(%arg0: i32, %arg1: i32, %arg2: memref<32x81x128xi32, #tpu.memory_space<hbm>>, %arg3: memref<10240x128xf32, #tpu.memory_space<hbm>>, %arg4: memref<128x128xf32, #tpu.memory_space<hbm>>, %arg5: memref<20480x128xf32, #tpu.memory_space<hbm>>, %arg6: memref<10240x128xf32, #tpu.memory_space<vmem_shared>>, %arg7: memref<128xi32, #tpu.memory_space<vmem>>, %arg8: memref<128xi32, #tpu.memory_space<vmem>>, %arg9: memref<128x128xf32, #tpu.memory_space<vmem>>, %arg10: memref<!tpu.dma_semaphore, #tpu.memory_space<semaphore_mem>>, %arg11: memref<!tpu.dma_semaphore, #tpu.memory_space<semaphore_mem>>) attributes {dimension_semantics = [#tpu.dimension_semantics<core_parallel>, #tpu.dimension_semantics<subcore_parallel>], iteration_bounds = array<i64: 2, 16>, scalar_prefetch = 0 : i64, scratch_operands = 6 : i64, tpu.core_type = #tpu.core_type<sc_vector_subcore>, window_params = [{transform_indices = #map}, {transform_indices = #map1}, {transform_indices = #map1}, {transform_indices = #map1}]} {
    %mul3A = arith.constant 16 : i32
    %mul3A_0 = arith.muli %arg0, %mul3A : i32
    %add3A = arith.addi %mul3A_0, %arg1 : i32
    %mul3A_1 = arith.constant 640 : i32
    %mul3A_2 = arith.muli %arg1, %mul3A_1 : i32
    %mul3A_3 = arith.constant 640 : i32
    %mul3A_4 = arith.muli %arg1, %mul3A_3 : i32
    "tpu.region"() ({
      %run_scoped3A_18 = tpu.sem_alloc : memref<!tpu.dma_semaphore, #tpu.memory_space<semaphore_mem>>
      %dma_start3A = arith.constant 0 : i32
      %dma_start3A_19 = tpu.memref_slice %arg6[%mul3A_4, %dma_start3A] : memref<10240x128xf32, #tpu.memory_space<vmem_shared>> -> memref<640x128xf32, #tpu.memory_space<vmem_shared>>
      %dma_start3A_20 = arith.constant 0 : i32
      %dma_start3A_21 = tpu.memref_slice %arg3[%mul3A_2, %dma_start3A_20] : memref<10240x128xf32, #tpu.memory_space<hbm>> -> memref<640x128xf32, #tpu.memory_space<hbm>>
      tpu.enqueue_dma source(%dma_start3A_21 : memref<640x128xf32, #tpu.memory_space<hbm>>) target(%dma_start3A_19 : memref<640x128xf32, #tpu.memory_space<vmem_shared>>) target_semaphore(%run_scoped3A_18 : memref<!tpu.dma_semaphore, #tpu.memory_space<semaphore_mem>>)
      %dma_wait3A = arith.constant 0 : i32
      %dma_wait3A_22 = tpu.memref_slice %arg6[%mul3A_4, %dma_wait3A] : memref<10240x128xf32, #tpu.memory_space<vmem_shared>> -> memref<640x128xf32, #tpu.memory_space<vmem_shared>>
      %dma_wait3A_23 = arith.constant 0 : i32
      %dma_wait3A_24 = tpu.memref_slice %arg3[%mul3A_2, %dma_wait3A_23] : memref<10240x128xf32, #tpu.memory_space<hbm>> -> memref<640x128xf32, #tpu.memory_space<hbm>>
      tpu.wait_dma2 semaphore(%run_scoped3A_18 : memref<!tpu.dma_semaphore, #tpu.memory_space<semaphore_mem>>) src(%dma_wait3A_24 : memref<640x128xf32, #tpu.memory_space<hbm>>) dst(%dma_wait3A_22 : memref<640x128xf32, #tpu.memory_space<vmem_shared>>)
      tpu.yield
    }) : () -> ()
    "tpu.region"() ({
      %run_scoped3A_18 = tpu.sem_alloc : memref<!tpu.dma_semaphore, #tpu.memory_space<semaphore_mem>>
      tpu.enqueue_dma source(%arg4 : memref<128x128xf32, #tpu.memory_space<hbm>>) target(%arg9 : memref<128x128xf32, #tpu.memory_space<vmem>>) target_semaphore(%run_scoped3A_18 : memref<!tpu.dma_semaphore, #tpu.memory_space<semaphore_mem>>)
      tpu.wait_dma2 semaphore(%run_scoped3A_18 : memref<!tpu.dma_semaphore, #tpu.memory_space<semaphore_mem>>) src(%arg4 : memref<128x128xf32, #tpu.memory_space<hbm>>) dst(%arg9 : memref<128x128xf32, #tpu.memory_space<vmem>>)
      tpu.yield
    }) : () -> ()
    %barrier3A = arith.constant 0 : index
    tpu.barrier barrier_id(%barrier3A)
    %run_scoped3A = arith.constant 0 : i32
    "tpu.region"() ({
      %run_scoped3A_18 = tpu.sem_alloc : memref<!tpu.dma_semaphore, #tpu.memory_space<semaphore_mem>>
      %dma_start3A = arith.constant 0 : i32
      %dma_start3A_19 = arith.constant 0 : i32
      %dma_start3A_20 = tpu.memref_slice %arg2[%add3A, %dma_start3A, %dma_start3A_19] : memref<32x81x128xi32, #tpu.memory_space<hbm>> -> memref<1x81x128xi32, #tpu.memory_space<hbm>>
      %dma_start3A_21 = tpu.memref_squeeze %dma_start3A_20 : memref<1x81x128xi32, #tpu.memory_space<hbm>> -> memref<81x128xi32, #tpu.memory_space<hbm>>
      %dma_start3A_22 = arith.constant 0 : i32
      %dma_start3A_23 = tpu.memref_slice %dma_start3A_21[%run_scoped3A, %dma_start3A_22] : memref<81x128xi32, #tpu.memory_space<hbm>> -> memref<1x128xi32, #tpu.memory_space<hbm>>
      %dma_start3A_24 = tpu.memref_squeeze %dma_start3A_23 : memref<1x128xi32, #tpu.memory_space<hbm>> -> memref<128xi32, #tpu.memory_space<hbm>>
      %dma_start3A_25 = arith.constant 0 : i32
      %dma_start3A_26 = arith.constant 0 : i32
      %dma_start3A_27 = tpu.memref_slice %arg2[%add3A, %dma_start3A_25, %dma_start3A_26] : memref<32x81x128xi32, #tpu.memory_space<hbm>> -> memref<1x81x128xi32, #tpu.memory_space<hbm>>
      %dma_start3A_28 = tpu.memref_squeeze %dma_start3A_27 : memref<1x81x128xi32, #tpu.memory_space<hbm>> -> memref<81x128xi32, #tpu.memory_space<hbm>>
      %dma_start3A_29 = arith.constant 0 : i32
      %dma_start3A_30 = tpu.memref_slice %dma_start3A_28[%run_scoped3A, %dma_start3A_29] : memref<81x128xi32, #tpu.memory_space<hbm>> -> memref<1x128xi32, #tpu.memory_space<hbm>>
      %dma_start3A_31 = tpu.memref_squeeze %dma_start3A_30 : memref<1x128xi32, #tpu.memory_space<hbm>> -> memref<128xi32, #tpu.memory_space<hbm>>
      tpu.enqueue_dma source(%dma_start3A_31 : memref<128xi32, #tpu.memory_space<hbm>>) target(%arg7 : memref<128xi32, #tpu.memory_space<vmem>>) target_semaphore(%run_scoped3A_18 : memref<!tpu.dma_semaphore, #tpu.memory_space<semaphore_mem>>)
      %dma_wait3A = arith.constant 0 : i32
      %dma_wait3A_32 = arith.constant 0 : i32
      %dma_wait3A_33 = tpu.memref_slice %arg2[%add3A, %dma_wait3A, %dma_wait3A_32] : memref<32x81x128xi32, #tpu.memory_space<hbm>> -> memref<1x81x128xi32, #tpu.memory_space<hbm>>
      %dma_wait3A_34 = tpu.memref_squeeze %dma_wait3A_33 : memref<1x81x128xi32, #tpu.memory_space<hbm>> -> memref<81x128xi32, #tpu.memory_space<hbm>>
      %dma_wait3A_35 = arith.constant 0 : i32
      %dma_wait3A_36 = tpu.memref_slice %dma_wait3A_34[%run_scoped3A, %dma_wait3A_35] : memref<81x128xi32, #tpu.memory_space<hbm>> -> memref<1x128xi32, #tpu.memory_space<hbm>>
      %dma_wait3A_37 = tpu.memref_squeeze %dma_wait3A_36 : memref<1x128xi32, #tpu.memory_space<hbm>> -> memref<128xi32, #tpu.memory_space<hbm>>
      %dma_wait3A_38 = arith.constant 0 : i32
      %dma_wait3A_39 = arith.constant 0 : i32
      %dma_wait3A_40 = tpu.memref_slice %arg2[%add3A, %dma_wait3A_38, %dma_wait3A_39] : memref<32x81x128xi32, #tpu.memory_space<hbm>> -> memref<1x81x128xi32, #tpu.memory_space<hbm>>
      %dma_wait3A_41 = tpu.memref_squeeze %dma_wait3A_40 : memref<1x81x128xi32, #tpu.memory_space<hbm>> -> memref<81x128xi32, #tpu.memory_space<hbm>>
      %dma_wait3A_42 = arith.constant 0 : i32
      %dma_wait3A_43 = tpu.memref_slice %dma_wait3A_41[%run_scoped3A, %dma_wait3A_42] : memref<81x128xi32, #tpu.memory_space<hbm>> -> memref<1x128xi32, #tpu.memory_space<hbm>>
      %dma_wait3A_44 = tpu.memref_squeeze %dma_wait3A_43 : memref<1x128xi32, #tpu.memory_space<hbm>> -> memref<128xi32, #tpu.memory_space<hbm>>
      tpu.wait_dma2 semaphore(%run_scoped3A_18 : memref<!tpu.dma_semaphore, #tpu.memory_space<semaphore_mem>>) src(%dma_wait3A_44 : memref<128xi32, #tpu.memory_space<hbm>>) dst(%arg7 : memref<128xi32, #tpu.memory_space<vmem>>)
      tpu.yield
    }) : () -> ()
    %scan3A = arith.constant 0 : i32
    %scan3A_5 = arith.constant 0 : i32
    %scan3A_6 = arith.constant 40 : i32
    %scan3A_7 = arith.addi %scan3A_5, %scan3A_6 : i32
    %scan3A_8 = arith.constant 1 : i32
    scf.for %scan3A_18 = %scan3A_5 to %scan3A_7 step %scan3A_8  : i32 {
      %mul3A_19 = arith.constant 2 : i32
      %mul3A_20 = arith.muli %mul3A_19, %scan3A_18 : i32
      %dma_start3A = arith.constant 0 : i32
      %dma_start3A_21 = arith.constant 0 : i32
      %dma_start3A_22 = tpu.memref_slice %arg6[%dma_start3A, %dma_start3A_21] : memref<10240x128xf32, #tpu.memory_space<vmem_shared>> -> memref<10240x128xf32, #tpu.memory_space<vmem_shared>>
      tpu.enqueue_indirect_dma source(%arg9 : memref<128x128xf32, #tpu.memory_space<vmem>>) target(%dma_start3A_22 : memref<10240x128xf32, #tpu.memory_space<vmem_shared>>) offsets(%arg7 : memref<128xi32, #tpu.memory_space<vmem>>) semaphore(%arg10 : memref<!tpu.dma_semaphore, #tpu.memory_space<semaphore_mem>>) {add = true}
      %add3A_23 = arith.constant 1 : i32
      %add3A_24 = arith.addi %mul3A_20, %add3A_23 : i32
      "tpu.region"() ({
        %run_scoped3A_35 = tpu.sem_alloc : memref<!tpu.dma_semaphore, #tpu.memory_space<semaphore_mem>>
        %dma_start3A_36 = arith.constant 0 : i32
        %dma_start3A_37 = arith.constant 0 : i32
        %dma_start3A_38 = tpu.memref_slice %arg2[%add3A, %dma_start3A_36, %dma_start3A_37] : memref<32x81x128xi32, #tpu.memory_space<hbm>> -> memref<1x81x128xi32, #tpu.memory_space<hbm>>
        %dma_start3A_39 = tpu.memref_squeeze %dma_start3A_38 : memref<1x81x128xi32, #tpu.memory_space<hbm>> -> memref<81x128xi32, #tpu.memory_space<hbm>>
        %dma_start3A_40 = arith.constant 0 : i32
        %dma_start3A_41 = tpu.memref_slice %dma_start3A_39[%add3A_24, %dma_start3A_40] : memref<81x128xi32, #tpu.memory_space<hbm>> -> memref<1x128xi32, #tpu.memory_space<hbm>>
        %dma_start3A_42 = tpu.memref_squeeze %dma_start3A_41 : memref<1x128xi32, #tpu.memory_space<hbm>> -> memref<128xi32, #tpu.memory_space<hbm>>
        %dma_start3A_43 = arith.constant 0 : i32
        %dma_start3A_44 = arith.constant 0 : i32
        %dma_start3A_45 = tpu.memref_slice %arg2[%add3A, %dma_start3A_43, %dma_start3A_44] : memref<32x81x128xi32, #tpu.memory_space<hbm>> -> memref<1x81x128xi32, #tpu.memory_space<hbm>>
        %dma_start3A_46 = tpu.memref_squeeze %dma_start3A_45 : memref<1x81x128xi32, #tpu.memory_space<hbm>> -> memref<81x128xi32, #tpu.memory_space<hbm>>
        %dma_start3A_47 = arith.constant 0 : i32
        %dma_start3A_48 = tpu.memref_slice %dma_start3A_46[%add3A_24, %dma_start3A_47] : memref<81x128xi32, #tpu.memory_space<hbm>> -> memref<1x128xi32, #tpu.memory_space<hbm>>
        %dma_start3A_49 = tpu.memref_squeeze %dma_start3A_48 : memref<1x128xi32, #tpu.memory_space<hbm>> -> memref<128xi32, #tpu.memory_space<hbm>>
        tpu.enqueue_dma source(%dma_start3A_49 : memref<128xi32, #tpu.memory_space<hbm>>) target(%arg8 : memref<128xi32, #tpu.memory_space<vmem>>) target_semaphore(%run_scoped3A_35 : memref<!tpu.dma_semaphore, #tpu.memory_space<semaphore_mem>>)
        %dma_wait3A_50 = arith.constant 0 : i32
        %dma_wait3A_51 = arith.constant 0 : i32
        %dma_wait3A_52 = tpu.memref_slice %arg2[%add3A, %dma_wait3A_50, %dma_wait3A_51] : memref<32x81x128xi32, #tpu.memory_space<hbm>> -> memref<1x81x128xi32, #tpu.memory_space<hbm>>
        %dma_wait3A_53 = tpu.memref_squeeze %dma_wait3A_52 : memref<1x81x128xi32, #tpu.memory_space<hbm>> -> memref<81x128xi32, #tpu.memory_space<hbm>>
        %dma_wait3A_54 = arith.constant 0 : i32
        %dma_wait3A_55 = tpu.memref_slice %dma_wait3A_53[%add3A_24, %dma_wait3A_54] : memref<81x128xi32, #tpu.memory_space<hbm>> -> memref<1x128xi32, #tpu.memory_space<hbm>>
        %dma_wait3A_56 = tpu.memref_squeeze %dma_wait3A_55 : memref<1x128xi32, #tpu.memory_space<hbm>> -> memref<128xi32, #tpu.memory_space<hbm>>
        %dma_wait3A_57 = arith.constant 0 : i32
        %dma_wait3A_58 = arith.constant 0 : i32
        %dma_wait3A_59 = tpu.memref_slice %arg2[%add3A, %dma_wait3A_57, %dma_wait3A_58] : memref<32x81x128xi32, #tpu.memory_space<hbm>> -> memref<1x81x128xi32, #tpu.memory_space<hbm>>
        %dma_wait3A_60 = tpu.memref_squeeze %dma_wait3A_59 : memref<1x81x128xi32, #tpu.memory_space<hbm>> -> memref<81x128xi32, #tpu.memory_space<hbm>>
        %dma_wait3A_61 = arith.constant 0 : i32
        %dma_wait3A_62 = tpu.memref_slice %dma_wait3A_60[%add3A_24, %dma_wait3A_61] : memref<81x128xi32, #tpu.memory_space<hbm>> -> memref<1x128xi32, #tpu.memory_space<hbm>>
        %dma_wait3A_63 = tpu.memref_squeeze %dma_wait3A_62 : memref<1x128xi32, #tpu.memory_space<hbm>> -> memref<128xi32, #tpu.memory_space<hbm>>
        tpu.wait_dma2 semaphore(%run_scoped3A_35 : memref<!tpu.dma_semaphore, #tpu.memory_space<semaphore_mem>>) src(%dma_wait3A_63 : memref<128xi32, #tpu.memory_space<hbm>>) dst(%arg8 : memref<128xi32, #tpu.memory_space<vmem>>)
        tpu.yield
      }) : () -> ()
      %dma_wait3A = arith.constant 0 : i32
      %dma_wait3A_25 = arith.constant 0 : i32
      %dma_wait3A_26 = tpu.memref_slice %arg6[%dma_wait3A, %dma_wait3A_25] : memref<10240x128xf32, #tpu.memory_space<vmem_shared>> -> memref<10240x128xf32, #tpu.memory_space<vmem_shared>>
      tpu.wait_indirect_dma semaphore(%arg10 : memref<!tpu.dma_semaphore, #tpu.memory_space<semaphore_mem>>) src(%arg9 : memref<128x128xf32, #tpu.memory_space<vmem>>) dst(%dma_wait3A_26 : memref<10240x128xf32, #tpu.memory_space<vmem_shared>>)
      %dma_start3A_27 = arith.constant 0 : i32
      %dma_start3A_28 = arith.constant 0 : i32
      %dma_start3A_29 = tpu.memref_slice %arg6[%dma_start3A_27, %dma_start3A_28] : memref<10240x128xf32, #tpu.memory_space<vmem_shared>> -> memref<10240x128xf32, #tpu.memory_space<vmem_shared>>
      tpu.enqueue_indirect_dma source(%arg9 : memref<128x128xf32, #tpu.memory_space<vmem>>) target(%dma_start3A_29 : memref<10240x128xf32, #tpu.memory_space<vmem_shared>>) offsets(%arg8 : memref<128xi32, #tpu.memory_space<vmem>>) semaphore(%arg11 : memref<!tpu.dma_semaphore, #tpu.memory_space<semaphore_mem>>) {add = true}
      %add3A_30 = arith.constant 2 : i32
      %add3A_31 = arith.addi %mul3A_20, %add3A_30 : i32
      "tpu.region"() ({
        %run_scoped3A_35 = tpu.sem_alloc : memref<!tpu.dma_semaphore, #tpu.memory_space<semaphore_mem>>
        %dma_start3A_36 = arith.constant 0 : i32
        %dma_start3A_37 = arith.constant 0 : i32
        %dma_start3A_38 = tpu.memref_slice %arg2[%add3A, %dma_start3A_36, %dma_start3A_37] : memref<32x81x128xi32, #tpu.memory_space<hbm>> -> memref<1x81x128xi32, #tpu.memory_space<hbm>>
        %dma_start3A_39 = tpu.memref_squeeze %dma_start3A_38 : memref<1x81x128xi32, #tpu.memory_space<hbm>> -> memref<81x128xi32, #tpu.memory_space<hbm>>
        %dma_start3A_40 = arith.constant 0 : i32
        %dma_start3A_41 = tpu.memref_slice %dma_start3A_39[%add3A_31, %dma_start3A_40] : memref<81x128xi32, #tpu.memory_space<hbm>> -> memref<1x128xi32, #tpu.memory_space<hbm>>
        %dma_start3A_42 = tpu.memref_squeeze %dma_start3A_41 : memref<1x128xi32, #tpu.memory_space<hbm>> -> memref<128xi32, #tpu.memory_space<hbm>>
        %dma_start3A_43 = arith.constant 0 : i32
        %dma_start3A_44 = arith.constant 0 : i32
        %dma_start3A_45 = tpu.memref_slice %arg2[%add3A, %dma_start3A_43, %dma_start3A_44] : memref<32x81x128xi32, #tpu.memory_space<hbm>> -> memref<1x81x128xi32, #tpu.memory_space<hbm>>
        %dma_start3A_46 = tpu.memref_squeeze %dma_start3A_45 : memref<1x81x128xi32, #tpu.memory_space<hbm>> -> memref<81x128xi32, #tpu.memory_space<hbm>>
        %dma_start3A_47 = arith.constant 0 : i32
        %dma_start3A_48 = tpu.memref_slice %dma_start3A_46[%add3A_31, %dma_start3A_47] : memref<81x128xi32, #tpu.memory_space<hbm>> -> memref<1x128xi32, #tpu.memory_space<hbm>>
        %dma_start3A_49 = tpu.memref_squeeze %dma_start3A_48 : memref<1x128xi32, #tpu.memory_space<hbm>> -> memref<128xi32, #tpu.memory_space<hbm>>
        tpu.enqueue_dma source(%dma_start3A_49 : memref<128xi32, #tpu.memory_space<hbm>>) target(%arg7 : memref<128xi32, #tpu.memory_space<vmem>>) target_semaphore(%run_scoped3A_35 : memref<!tpu.dma_semaphore, #tpu.memory_space<semaphore_mem>>)
        %dma_wait3A_50 = arith.constant 0 : i32
        %dma_wait3A_51 = arith.constant 0 : i32
        %dma_wait3A_52 = tpu.memref_slice %arg2[%add3A, %dma_wait3A_50, %dma_wait3A_51] : memref<32x81x128xi32, #tpu.memory_space<hbm>> -> memref<1x81x128xi32, #tpu.memory_space<hbm>>
        %dma_wait3A_53 = tpu.memref_squeeze %dma_wait3A_52 : memref<1x81x128xi32, #tpu.memory_space<hbm>> -> memref<81x128xi32, #tpu.memory_space<hbm>>
        %dma_wait3A_54 = arith.constant 0 : i32
        %dma_wait3A_55 = tpu.memref_slice %dma_wait3A_53[%add3A_31, %dma_wait3A_54] : memref<81x128xi32, #tpu.memory_space<hbm>> -> memref<1x128xi32, #tpu.memory_space<hbm>>
        %dma_wait3A_56 = tpu.memref_squeeze %dma_wait3A_55 : memref<1x128xi32, #tpu.memory_space<hbm>> -> memref<128xi32, #tpu.memory_space<hbm>>
        %dma_wait3A_57 = arith.constant 0 : i32
        %dma_wait3A_58 = arith.constant 0 : i32
        %dma_wait3A_59 = tpu.memref_slice %arg2[%add3A, %dma_wait3A_57, %dma_wait3A_58] : memref<32x81x128xi32, #tpu.memory_space<hbm>> -> memref<1x81x128xi32, #tpu.memory_space<hbm>>
        %dma_wait3A_60 = tpu.memref_squeeze %dma_wait3A_59 : memref<1x81x128xi32, #tpu.memory_space<hbm>> -> memref<81x128xi32, #tpu.memory_space<hbm>>
        %dma_wait3A_61 = arith.constant 0 : i32
        %dma_wait3A_62 = tpu.memref_slice %dma_wait3A_60[%add3A_31, %dma_wait3A_61] : memref<81x128xi32, #tpu.memory_space<hbm>> -> memref<1x128xi32, #tpu.memory_space<hbm>>
        %dma_wait3A_63 = tpu.memref_squeeze %dma_wait3A_62 : memref<1x128xi32, #tpu.memory_space<hbm>> -> memref<128xi32, #tpu.memory_space<hbm>>
        tpu.wait_dma2 semaphore(%run_scoped3A_35 : memref<!tpu.dma_semaphore, #tpu.memory_space<semaphore_mem>>) src(%dma_wait3A_63 : memref<128xi32, #tpu.memory_space<hbm>>) dst(%arg7 : memref<128xi32, #tpu.memory_space<vmem>>)
        tpu.yield
      }) : () -> ()
      %dma_wait3A_32 = arith.constant 0 : i32
      %dma_wait3A_33 = arith.constant 0 : i32
      %dma_wait3A_34 = tpu.memref_slice %arg6[%dma_wait3A_32, %dma_wait3A_33] : memref<10240x128xf32, #tpu.memory_space<vmem_shared>> -> memref<10240x128xf32, #tpu.memory_space<vmem_shared>>
      tpu.wait_indirect_dma semaphore(%arg11 : memref<!tpu.dma_semaphore, #tpu.memory_space<semaphore_mem>>) src(%arg9 : memref<128x128xf32, #tpu.memory_space<vmem>>) dst(%dma_wait3A_34 : memref<10240x128xf32, #tpu.memory_space<vmem_shared>>)
    }
    %scan3A_9 = arith.constant 40 : i32
    %barrier3A_10 = arith.constant 0 : index
    tpu.barrier barrier_id(%barrier3A_10)
    %mul3A_11 = arith.constant 640 : i32
    %mul3A_12 = arith.muli %arg1, %mul3A_11 : i32
    %mul3A_13 = arith.constant 10240 : i32
    %mul3A_14 = arith.muli %arg0, %mul3A_13 : i32
    %mul3A_15 = arith.constant 640 : i32
    %mul3A_16 = arith.muli %arg1, %mul3A_15 : i32
    %add3A_17 = arith.addi %mul3A_14, %mul3A_16 : i32
    "tpu.region"() ({
      %run_scoped3A_18 = tpu.sem_alloc : memref<!tpu.dma_semaphore, #tpu.memory_space<semaphore_mem>>
      %dma_start3A = arith.constant 0 : i32
      %dma_start3A_19 = tpu.memref_slice %arg5[%add3A_17, %dma_start3A] : memref<20480x128xf32, #tpu.memory_space<hbm>> -> memref<640x128xf32, #tpu.memory_space<hbm>>
      %dma_start3A_20 = arith.constant 0 : i32
      %dma_start3A_21 = tpu.memref_slice %arg6[%mul3A_12, %dma_start3A_20] : memref<10240x128xf32, #tpu.memory_space<vmem_shared>> -> memref<640x128xf32, #tpu.memory_space<vmem_shared>>
      tpu.enqueue_dma source(%dma_start3A_21 : memref<640x128xf32, #tpu.memory_space<vmem_shared>>) target(%dma_start3A_19 : memref<640x128xf32, #tpu.memory_space<hbm>>) target_semaphore(%run_scoped3A_18 : memref<!tpu.dma_semaphore, #tpu.memory_space<semaphore_mem>>)
      %dma_wait3A = arith.constant 0 : i32
      %dma_wait3A_22 = tpu.memref_slice %arg5[%add3A_17, %dma_wait3A] : memref<20480x128xf32, #tpu.memory_space<hbm>> -> memref<640x128xf32, #tpu.memory_space<hbm>>
      %dma_wait3A_23 = arith.constant 0 : i32
      %dma_wait3A_24 = tpu.memref_slice %arg6[%mul3A_12, %dma_wait3A_23] : memref<10240x128xf32, #tpu.memory_space<vmem_shared>> -> memref<640x128xf32, #tpu.memory_space<vmem_shared>>
      tpu.wait_dma2 semaphore(%run_scoped3A_18 : memref<!tpu.dma_semaphore, #tpu.memory_space<semaphore_mem>>) src(%dma_wait3A_24 : memref<640x128xf32, #tpu.memory_space<vmem_shared>>) dst(%dma_wait3A_22 : memref<640x128xf32, #tpu.memory_space<hbm>>)
      tpu.yield
    }) : () -> ()
    return
  }
}

#map = affine_map<(d0, d1) -> (0, 0, 0)>
#map1 = affine_map<(d0, d1) -> (0, 0)>
module attributes {stable_mosaic.version = 14 : i64} {
  func.func @_spmm_body(%arg0: i32, %arg1: i32, %arg2: memref<32x81x128xi32, #tpu.memory_space<hbm>>, %arg3: memref<32x81x128xi32, #tpu.memory_space<hbm>>, %arg4: memref<10000x128xf32, #tpu.memory_space<hbm>>, %arg5: memref<10240x128xf32, #tpu.memory_space<hbm>>, %arg6: memref<20480x128xf32, #tpu.memory_space<hbm>>, %arg7: memref<10240x128xf32, #tpu.memory_space<vmem_shared>>, %arg8: memref<81x128xi32, #tpu.memory_space<vmem>>, %arg9: memref<128xi32, #tpu.memory_space<vmem>>, %arg10: memref<128xi32, #tpu.memory_space<vmem>>, %arg11: memref<128x128xf32, #tpu.memory_space<vmem>>, %arg12: memref<128x128xf32, #tpu.memory_space<vmem>>, %arg13: memref<!tpu.dma_semaphore, #tpu.memory_space<semaphore_mem>>, %arg14: memref<!tpu.dma_semaphore, #tpu.memory_space<semaphore_mem>>) attributes {dimension_semantics = [#tpu.dimension_semantics<core_parallel>, #tpu.dimension_semantics<subcore_parallel>], iteration_bounds = array<i64: 2, 16>, scalar_prefetch = 0 : i64, scratch_operands = 8 : i64, tpu.core_type = #tpu.core_type<sc_vector_subcore>, window_params = [{transform_indices = #map}, {transform_indices = #map}, {transform_indices = #map1}, {transform_indices = #map1}, {transform_indices = #map1}]} {
    %mul3A = arith.constant 16 : i32
    %mul3A_0 = arith.muli %arg0, %mul3A : i32
    %add3A = arith.addi %mul3A_0, %arg1 : i32
    %mul3A_1 = arith.constant 640 : i32
    %mul3A_2 = arith.muli %arg1, %mul3A_1 : i32
    %mul3A_3 = arith.constant 640 : i32
    %mul3A_4 = arith.muli %arg1, %mul3A_3 : i32
    "tpu.region"() ({
      %run_scoped3A_30 = tpu.sem_alloc : memref<!tpu.dma_semaphore, #tpu.memory_space<semaphore_mem>>
      %dma_start3A_31 = arith.constant 0 : i32
      %dma_start3A_32 = tpu.memref_slice %arg7[%mul3A_4, %dma_start3A_31] : memref<10240x128xf32, #tpu.memory_space<vmem_shared>> -> memref<640x128xf32, #tpu.memory_space<vmem_shared>>
      %dma_start3A_33 = arith.constant 0 : i32
      %dma_start3A_34 = tpu.memref_slice %arg5[%mul3A_2, %dma_start3A_33] : memref<10240x128xf32, #tpu.memory_space<hbm>> -> memref<640x128xf32, #tpu.memory_space<hbm>>
      tpu.enqueue_dma source(%dma_start3A_34 : memref<640x128xf32, #tpu.memory_space<hbm>>) target(%dma_start3A_32 : memref<640x128xf32, #tpu.memory_space<vmem_shared>>) target_semaphore(%run_scoped3A_30 : memref<!tpu.dma_semaphore, #tpu.memory_space<semaphore_mem>>)
      %dma_wait3A_35 = arith.constant 0 : i32
      %dma_wait3A_36 = tpu.memref_slice %arg7[%mul3A_4, %dma_wait3A_35] : memref<10240x128xf32, #tpu.memory_space<vmem_shared>> -> memref<640x128xf32, #tpu.memory_space<vmem_shared>>
      %dma_wait3A_37 = arith.constant 0 : i32
      %dma_wait3A_38 = tpu.memref_slice %arg5[%mul3A_2, %dma_wait3A_37] : memref<10240x128xf32, #tpu.memory_space<hbm>> -> memref<640x128xf32, #tpu.memory_space<hbm>>
      tpu.wait_dma2 semaphore(%run_scoped3A_30 : memref<!tpu.dma_semaphore, #tpu.memory_space<semaphore_mem>>) src(%dma_wait3A_38 : memref<640x128xf32, #tpu.memory_space<hbm>>) dst(%dma_wait3A_36 : memref<640x128xf32, #tpu.memory_space<vmem_shared>>)
      tpu.yield
    }) : () -> ()
    "tpu.region"() ({
      %run_scoped3A_30 = tpu.sem_alloc : memref<!tpu.dma_semaphore, #tpu.memory_space<semaphore_mem>>
      %dma_start3A_31 = arith.constant 0 : i32
      %dma_start3A_32 = arith.constant 0 : i32
      %dma_start3A_33 = tpu.memref_slice %arg2[%add3A, %dma_start3A_31, %dma_start3A_32] : memref<32x81x128xi32, #tpu.memory_space<hbm>> -> memref<1x81x128xi32, #tpu.memory_space<hbm>>
      %dma_start3A_34 = tpu.memref_squeeze %dma_start3A_33 : memref<1x81x128xi32, #tpu.memory_space<hbm>> -> memref<81x128xi32, #tpu.memory_space<hbm>>
      %dma_start3A_35 = arith.constant 0 : i32
      %dma_start3A_36 = arith.constant 0 : i32
      %dma_start3A_37 = tpu.memref_slice %arg2[%add3A, %dma_start3A_35, %dma_start3A_36] : memref<32x81x128xi32, #tpu.memory_space<hbm>> -> memref<1x81x128xi32, #tpu.memory_space<hbm>>
      %dma_start3A_38 = tpu.memref_squeeze %dma_start3A_37 : memref<1x81x128xi32, #tpu.memory_space<hbm>> -> memref<81x128xi32, #tpu.memory_space<hbm>>
      tpu.enqueue_dma source(%dma_start3A_38 : memref<81x128xi32, #tpu.memory_space<hbm>>) target(%arg8 : memref<81x128xi32, #tpu.memory_space<vmem>>) target_semaphore(%run_scoped3A_30 : memref<!tpu.dma_semaphore, #tpu.memory_space<semaphore_mem>>)
      %dma_wait3A_39 = arith.constant 0 : i32
      %dma_wait3A_40 = arith.constant 0 : i32
      %dma_wait3A_41 = tpu.memref_slice %arg2[%add3A, %dma_wait3A_39, %dma_wait3A_40] : memref<32x81x128xi32, #tpu.memory_space<hbm>> -> memref<1x81x128xi32, #tpu.memory_space<hbm>>
      %dma_wait3A_42 = tpu.memref_squeeze %dma_wait3A_41 : memref<1x81x128xi32, #tpu.memory_space<hbm>> -> memref<81x128xi32, #tpu.memory_space<hbm>>
      %dma_wait3A_43 = arith.constant 0 : i32
      %dma_wait3A_44 = arith.constant 0 : i32
      %dma_wait3A_45 = tpu.memref_slice %arg2[%add3A, %dma_wait3A_43, %dma_wait3A_44] : memref<32x81x128xi32, #tpu.memory_space<hbm>> -> memref<1x81x128xi32, #tpu.memory_space<hbm>>
      %dma_wait3A_46 = tpu.memref_squeeze %dma_wait3A_45 : memref<1x81x128xi32, #tpu.memory_space<hbm>> -> memref<81x128xi32, #tpu.memory_space<hbm>>
      tpu.wait_dma2 semaphore(%run_scoped3A_30 : memref<!tpu.dma_semaphore, #tpu.memory_space<semaphore_mem>>) src(%dma_wait3A_46 : memref<81x128xi32, #tpu.memory_space<hbm>>) dst(%arg8 : memref<81x128xi32, #tpu.memory_space<vmem>>)
      tpu.yield
    }) : () -> ()
    %barrier3A = arith.constant 0 : index
    tpu.barrier barrier_id(%barrier3A)
    %run_scoped3A = arith.constant 0 : i32
    "tpu.region"() ({
      %run_scoped3A_30 = tpu.sem_alloc : memref<!tpu.dma_semaphore, #tpu.memory_space<semaphore_mem>>
      %dma_start3A_31 = arith.constant 0 : i32
      %dma_start3A_32 = arith.constant 0 : i32
      %dma_start3A_33 = tpu.memref_slice %arg3[%add3A, %dma_start3A_31, %dma_start3A_32] : memref<32x81x128xi32, #tpu.memory_space<hbm>> -> memref<1x81x128xi32, #tpu.memory_space<hbm>>
      %dma_start3A_34 = tpu.memref_squeeze %dma_start3A_33 : memref<1x81x128xi32, #tpu.memory_space<hbm>> -> memref<81x128xi32, #tpu.memory_space<hbm>>
      %dma_start3A_35 = arith.constant 0 : i32
      %dma_start3A_36 = tpu.memref_slice %dma_start3A_34[%run_scoped3A, %dma_start3A_35] : memref<81x128xi32, #tpu.memory_space<hbm>> -> memref<1x128xi32, #tpu.memory_space<hbm>>
      %dma_start3A_37 = tpu.memref_squeeze %dma_start3A_36 : memref<1x128xi32, #tpu.memory_space<hbm>> -> memref<128xi32, #tpu.memory_space<hbm>>
      %dma_start3A_38 = arith.constant 0 : i32
      %dma_start3A_39 = arith.constant 0 : i32
      %dma_start3A_40 = tpu.memref_slice %arg3[%add3A, %dma_start3A_38, %dma_start3A_39] : memref<32x81x128xi32, #tpu.memory_space<hbm>> -> memref<1x81x128xi32, #tpu.memory_space<hbm>>
      %dma_start3A_41 = tpu.memref_squeeze %dma_start3A_40 : memref<1x81x128xi32, #tpu.memory_space<hbm>> -> memref<81x128xi32, #tpu.memory_space<hbm>>
      %dma_start3A_42 = arith.constant 0 : i32
      %dma_start3A_43 = tpu.memref_slice %dma_start3A_41[%run_scoped3A, %dma_start3A_42] : memref<81x128xi32, #tpu.memory_space<hbm>> -> memref<1x128xi32, #tpu.memory_space<hbm>>
      %dma_start3A_44 = tpu.memref_squeeze %dma_start3A_43 : memref<1x128xi32, #tpu.memory_space<hbm>> -> memref<128xi32, #tpu.memory_space<hbm>>
      tpu.enqueue_dma source(%dma_start3A_44 : memref<128xi32, #tpu.memory_space<hbm>>) target(%arg9 : memref<128xi32, #tpu.memory_space<vmem>>) target_semaphore(%run_scoped3A_30 : memref<!tpu.dma_semaphore, #tpu.memory_space<semaphore_mem>>)
      %dma_wait3A_45 = arith.constant 0 : i32
      %dma_wait3A_46 = arith.constant 0 : i32
      %dma_wait3A_47 = tpu.memref_slice %arg3[%add3A, %dma_wait3A_45, %dma_wait3A_46] : memref<32x81x128xi32, #tpu.memory_space<hbm>> -> memref<1x81x128xi32, #tpu.memory_space<hbm>>
      %dma_wait3A_48 = tpu.memref_squeeze %dma_wait3A_47 : memref<1x81x128xi32, #tpu.memory_space<hbm>> -> memref<81x128xi32, #tpu.memory_space<hbm>>
      %dma_wait3A_49 = arith.constant 0 : i32
      %dma_wait3A_50 = tpu.memref_slice %dma_wait3A_48[%run_scoped3A, %dma_wait3A_49] : memref<81x128xi32, #tpu.memory_space<hbm>> -> memref<1x128xi32, #tpu.memory_space<hbm>>
      %dma_wait3A_51 = tpu.memref_squeeze %dma_wait3A_50 : memref<1x128xi32, #tpu.memory_space<hbm>> -> memref<128xi32, #tpu.memory_space<hbm>>
      %dma_wait3A_52 = arith.constant 0 : i32
      %dma_wait3A_53 = arith.constant 0 : i32
      %dma_wait3A_54 = tpu.memref_slice %arg3[%add3A, %dma_wait3A_52, %dma_wait3A_53] : memref<32x81x128xi32, #tpu.memory_space<hbm>> -> memref<1x81x128xi32, #tpu.memory_space<hbm>>
      %dma_wait3A_55 = tpu.memref_squeeze %dma_wait3A_54 : memref<1x81x128xi32, #tpu.memory_space<hbm>> -> memref<81x128xi32, #tpu.memory_space<hbm>>
      %dma_wait3A_56 = arith.constant 0 : i32
      %dma_wait3A_57 = tpu.memref_slice %dma_wait3A_55[%run_scoped3A, %dma_wait3A_56] : memref<81x128xi32, #tpu.memory_space<hbm>> -> memref<1x128xi32, #tpu.memory_space<hbm>>
      %dma_wait3A_58 = tpu.memref_squeeze %dma_wait3A_57 : memref<1x128xi32, #tpu.memory_space<hbm>> -> memref<128xi32, #tpu.memory_space<hbm>>
      tpu.wait_dma2 semaphore(%run_scoped3A_30 : memref<!tpu.dma_semaphore, #tpu.memory_space<semaphore_mem>>) src(%dma_wait3A_58 : memref<128xi32, #tpu.memory_space<hbm>>) dst(%arg9 : memref<128xi32, #tpu.memory_space<vmem>>)
      tpu.yield
    }) : () -> ()
    %dma_start3A = arith.constant 0 : i32
    %dma_start3A_5 = arith.constant 0 : i32
    %dma_start3A_6 = tpu.memref_slice %arg8[%dma_start3A, %dma_start3A_5] : memref<81x128xi32, #tpu.memory_space<vmem>> -> memref<1x128xi32, #tpu.memory_space<vmem>>
    %dma_start3A_7 = tpu.memref_squeeze %dma_start3A_6 : memref<1x128xi32, #tpu.memory_space<vmem>> -> memref<128xi32, #tpu.memory_space<vmem>>
    %dma_start3A_8 = arith.constant 0 : i32
    %dma_start3A_9 = arith.constant 0 : i32
    %dma_start3A_10 = tpu.memref_slice %arg4[%dma_start3A_8, %dma_start3A_9] : memref<10000x128xf32, #tpu.memory_space<hbm>> -> memref<10000x128xf32, #tpu.memory_space<hbm>>
    tpu.enqueue_indirect_dma source(%dma_start3A_10 : memref<10000x128xf32, #tpu.memory_space<hbm>>) target(%arg11 : memref<128x128xf32, #tpu.memory_space<vmem>>) offsets(%dma_start3A_7 : memref<128xi32, #tpu.memory_space<vmem>>) semaphore(%arg13 : memref<!tpu.dma_semaphore, #tpu.memory_space<semaphore_mem>>)
    %scan3A = arith.constant 0 : i32
    %scan3A_11 = arith.constant 0 : i32
    %scan3A_12 = arith.constant 40 : i32
    %scan3A_13 = arith.addi %scan3A_11, %scan3A_12 : i32
    %scan3A_14 = arith.constant 1 : i32
    scf.for %scan3A_30 = %scan3A_11 to %scan3A_13 step %scan3A_14  : i32 {
      %mul3A_31 = arith.constant 2 : i32
      %mul3A_32 = arith.muli %mul3A_31, %scan3A_30 : i32
      %add3A_33 = arith.constant 1 : i32
      %add3A_34 = arith.addi %mul3A_32, %add3A_33 : i32
      %dma_start3A_35 = arith.constant 0 : i32
      %dma_start3A_36 = tpu.memref_slice %arg8[%add3A_34, %dma_start3A_35] : memref<81x128xi32, #tpu.memory_space<vmem>> -> memref<1x128xi32, #tpu.memory_space<vmem>>
      %dma_start3A_37 = tpu.memref_squeeze %dma_start3A_36 : memref<1x128xi32, #tpu.memory_space<vmem>> -> memref<128xi32, #tpu.memory_space<vmem>>
      %dma_start3A_38 = arith.constant 0 : i32
      %dma_start3A_39 = arith.constant 0 : i32
      %dma_start3A_40 = tpu.memref_slice %arg4[%dma_start3A_38, %dma_start3A_39] : memref<10000x128xf32, #tpu.memory_space<hbm>> -> memref<10000x128xf32, #tpu.memory_space<hbm>>
      tpu.enqueue_indirect_dma source(%dma_start3A_40 : memref<10000x128xf32, #tpu.memory_space<hbm>>) target(%arg12 : memref<128x128xf32, #tpu.memory_space<vmem>>) offsets(%dma_start3A_37 : memref<128xi32, #tpu.memory_space<vmem>>) semaphore(%arg14 : memref<!tpu.dma_semaphore, #tpu.memory_space<semaphore_mem>>)
      %add3A_41 = arith.constant 1 : i32
      %add3A_42 = arith.addi %mul3A_32, %add3A_41 : i32
      "tpu.region"() ({
        %run_scoped3A_67 = tpu.sem_alloc : memref<!tpu.dma_semaphore, #tpu.memory_space<semaphore_mem>>
        %dma_start3A_68 = arith.constant 0 : i32
        %dma_start3A_69 = arith.constant 0 : i32
        %dma_start3A_70 = tpu.memref_slice %arg3[%add3A, %dma_start3A_68, %dma_start3A_69] : memref<32x81x128xi32, #tpu.memory_space<hbm>> -> memref<1x81x128xi32, #tpu.memory_space<hbm>>
        %dma_start3A_71 = tpu.memref_squeeze %dma_start3A_70 : memref<1x81x128xi32, #tpu.memory_space<hbm>> -> memref<81x128xi32, #tpu.memory_space<hbm>>
        %dma_start3A_72 = arith.constant 0 : i32
        %dma_start3A_73 = tpu.memref_slice %dma_start3A_71[%add3A_42, %dma_start3A_72] : memref<81x128xi32, #tpu.memory_space<hbm>> -> memref<1x128xi32, #tpu.memory_space<hbm>>
        %dma_start3A_74 = tpu.memref_squeeze %dma_start3A_73 : memref<1x128xi32, #tpu.memory_space<hbm>> -> memref<128xi32, #tpu.memory_space<hbm>>
        %dma_start3A_75 = arith.constant 0 : i32
        %dma_start3A_76 = arith.constant 0 : i32
        %dma_start3A_77 = tpu.memref_slice %arg3[%add3A, %dma_start3A_75, %dma_start3A_76] : memref<32x81x128xi32, #tpu.memory_space<hbm>> -> memref<1x81x128xi32, #tpu.memory_space<hbm>>
        %dma_start3A_78 = tpu.memref_squeeze %dma_start3A_77 : memref<1x81x128xi32, #tpu.memory_space<hbm>> -> memref<81x128xi32, #tpu.memory_space<hbm>>
        %dma_start3A_79 = arith.constant 0 : i32
        %dma_start3A_80 = tpu.memref_slice %dma_start3A_78[%add3A_42, %dma_start3A_79] : memref<81x128xi32, #tpu.memory_space<hbm>> -> memref<1x128xi32, #tpu.memory_space<hbm>>
        %dma_start3A_81 = tpu.memref_squeeze %dma_start3A_80 : memref<1x128xi32, #tpu.memory_space<hbm>> -> memref<128xi32, #tpu.memory_space<hbm>>
        tpu.enqueue_dma source(%dma_start3A_81 : memref<128xi32, #tpu.memory_space<hbm>>) target(%arg10 : memref<128xi32, #tpu.memory_space<vmem>>) target_semaphore(%run_scoped3A_67 : memref<!tpu.dma_semaphore, #tpu.memory_space<semaphore_mem>>)
        %dma_wait3A_82 = arith.constant 0 : i32
        %dma_wait3A_83 = arith.constant 0 : i32
        %dma_wait3A_84 = tpu.memref_slice %arg3[%add3A, %dma_wait3A_82, %dma_wait3A_83] : memref<32x81x128xi32, #tpu.memory_space<hbm>> -> memref<1x81x128xi32, #tpu.memory_space<hbm>>
        %dma_wait3A_85 = tpu.memref_squeeze %dma_wait3A_84 : memref<1x81x128xi32, #tpu.memory_space<hbm>> -> memref<81x128xi32, #tpu.memory_space<hbm>>
        %dma_wait3A_86 = arith.constant 0 : i32
        %dma_wait3A_87 = tpu.memref_slice %dma_wait3A_85[%add3A_42, %dma_wait3A_86] : memref<81x128xi32, #tpu.memory_space<hbm>> -> memref<1x128xi32, #tpu.memory_space<hbm>>
        %dma_wait3A_88 = tpu.memref_squeeze %dma_wait3A_87 : memref<1x128xi32, #tpu.memory_space<hbm>> -> memref<128xi32, #tpu.memory_space<hbm>>
        %dma_wait3A_89 = arith.constant 0 : i32
        %dma_wait3A_90 = arith.constant 0 : i32
        %dma_wait3A_91 = tpu.memref_slice %arg3[%add3A, %dma_wait3A_89, %dma_wait3A_90] : memref<32x81x128xi32, #tpu.memory_space<hbm>> -> memref<1x81x128xi32, #tpu.memory_space<hbm>>
        %dma_wait3A_92 = tpu.memref_squeeze %dma_wait3A_91 : memref<1x81x128xi32, #tpu.memory_space<hbm>> -> memref<81x128xi32, #tpu.memory_space<hbm>>
        %dma_wait3A_93 = arith.constant 0 : i32
        %dma_wait3A_94 = tpu.memref_slice %dma_wait3A_92[%add3A_42, %dma_wait3A_93] : memref<81x128xi32, #tpu.memory_space<hbm>> -> memref<1x128xi32, #tpu.memory_space<hbm>>
        %dma_wait3A_95 = tpu.memref_squeeze %dma_wait3A_94 : memref<1x128xi32, #tpu.memory_space<hbm>> -> memref<128xi32, #tpu.memory_space<hbm>>
        tpu.wait_dma2 semaphore(%run_scoped3A_67 : memref<!tpu.dma_semaphore, #tpu.memory_space<semaphore_mem>>) src(%dma_wait3A_95 : memref<128xi32, #tpu.memory_space<hbm>>) dst(%arg10 : memref<128xi32, #tpu.memory_space<vmem>>)
        tpu.yield
      }) : () -> ()
      %dma_wait3A_43 = arith.constant 0 : i32
      %dma_wait3A_44 = tpu.memref_slice %arg8[%mul3A_32, %dma_wait3A_43] : memref<81x128xi32, #tpu.memory_space<vmem>> -> memref<1x128xi32, #tpu.memory_space<vmem>>
      %dma_wait3A_45 = tpu.memref_squeeze %dma_wait3A_44 : memref<1x128xi32, #tpu.memory_space<vmem>> -> memref<128xi32, #tpu.memory_space<vmem>>
      %dma_wait3A_46 = arith.constant 0 : i32
      %dma_wait3A_47 = arith.constant 0 : i32
      %dma_wait3A_48 = tpu.memref_slice %arg4[%dma_wait3A_46, %dma_wait3A_47] : memref<10000x128xf32, #tpu.memory_space<hbm>> -> memref<10000x128xf32, #tpu.memory_space<hbm>>
      tpu.wait_indirect_dma semaphore(%arg13 : memref<!tpu.dma_semaphore, #tpu.memory_space<semaphore_mem>>) src(%dma_wait3A_48 : memref<10000x128xf32, #tpu.memory_space<hbm>>) dst(%arg11 : memref<128x128xf32, #tpu.memory_space<vmem>>)
      "tpu.region"() ({
        %run_scoped3A_67 = tpu.sem_alloc : memref<!tpu.dma_semaphore, #tpu.memory_space<semaphore_mem>>
        %dma_start3A_68 = arith.constant 0 : i32
        %dma_start3A_69 = arith.constant 0 : i32
        %dma_start3A_70 = tpu.memref_slice %arg7[%dma_start3A_68, %dma_start3A_69] : memref<10240x128xf32, #tpu.memory_space<vmem_shared>> -> memref<10240x128xf32, #tpu.memory_space<vmem_shared>>
        tpu.enqueue_indirect_dma source(%arg11 : memref<128x128xf32, #tpu.memory_space<vmem>>) target(%dma_start3A_70 : memref<10240x128xf32, #tpu.memory_space<vmem_shared>>) offsets(%arg9 : memref<128xi32, #tpu.memory_space<vmem>>) semaphore(%run_scoped3A_67 : memref<!tpu.dma_semaphore, #tpu.memory_space<semaphore_mem>>) {add = true}
        %dma_wait3A_71 = arith.constant 0 : i32
        %dma_wait3A_72 = arith.constant 0 : i32
        %dma_wait3A_73 = tpu.memref_slice %arg7[%dma_wait3A_71, %dma_wait3A_72] : memref<10240x128xf32, #tpu.memory_space<vmem_shared>> -> memref<10240x128xf32, #tpu.memory_space<vmem_shared>>
        tpu.wait_indirect_dma semaphore(%run_scoped3A_67 : memref<!tpu.dma_semaphore, #tpu.memory_space<semaphore_mem>>) src(%arg11 : memref<128x128xf32, #tpu.memory_space<vmem>>) dst(%dma_wait3A_73 : memref<10240x128xf32, #tpu.memory_space<vmem_shared>>)
        tpu.yield
      }) : () -> ()
      %add3A_49 = arith.constant 2 : i32
      %add3A_50 = arith.addi %mul3A_32, %add3A_49 : i32
      %dma_start3A_51 = arith.constant 0 : i32
      %dma_start3A_52 = tpu.memref_slice %arg8[%add3A_50, %dma_start3A_51] : memref<81x128xi32, #tpu.memory_space<vmem>> -> memref<1x128xi32, #tpu.memory_space<vmem>>
      %dma_start3A_53 = tpu.memref_squeeze %dma_start3A_52 : memref<1x128xi32, #tpu.memory_space<vmem>> -> memref<128xi32, #tpu.memory_space<vmem>>
      %dma_start3A_54 = arith.constant 0 : i32
      %dma_start3A_55 = arith.constant 0 : i32
      %dma_start3A_56 = tpu.memref_slice %arg4[%dma_start3A_54, %dma_start3A_55] : memref<10000x128xf32, #tpu.memory_space<hbm>> -> memref<10000x128xf32, #tpu.memory_space<hbm>>
      tpu.enqueue_indirect_dma source(%dma_start3A_56 : memref<10000x128xf32, #tpu.memory_space<hbm>>) target(%arg11 : memref<128x128xf32, #tpu.memory_space<vmem>>) offsets(%dma_start3A_53 : memref<128xi32, #tpu.memory_space<vmem>>) semaphore(%arg13 : memref<!tpu.dma_semaphore, #tpu.memory_space<semaphore_mem>>)
      %add3A_57 = arith.constant 2 : i32
      %add3A_58 = arith.addi %mul3A_32, %add3A_57 : i32
      "tpu.region"() ({
        %run_scoped3A_67 = tpu.sem_alloc : memref<!tpu.dma_semaphore, #tpu.memory_space<semaphore_mem>>
        %dma_start3A_68 = arith.constant 0 : i32
        %dma_start3A_69 = arith.constant 0 : i32
        %dma_start3A_70 = tpu.memref_slice %arg3[%add3A, %dma_start3A_68, %dma_start3A_69] : memref<32x81x128xi32, #tpu.memory_space<hbm>> -> memref<1x81x128xi32, #tpu.memory_space<hbm>>
        %dma_start3A_71 = tpu.memref_squeeze %dma_start3A_70 : memref<1x81x128xi32, #tpu.memory_space<hbm>> -> memref<81x128xi32, #tpu.memory_space<hbm>>
        %dma_start3A_72 = arith.constant 0 : i32
        %dma_start3A_73 = tpu.memref_slice %dma_start3A_71[%add3A_58, %dma_start3A_72] : memref<81x128xi32, #tpu.memory_space<hbm>> -> memref<1x128xi32, #tpu.memory_space<hbm>>
        %dma_start3A_74 = tpu.memref_squeeze %dma_start3A_73 : memref<1x128xi32, #tpu.memory_space<hbm>> -> memref<128xi32, #tpu.memory_space<hbm>>
        %dma_start3A_75 = arith.constant 0 : i32
        %dma_start3A_76 = arith.constant 0 : i32
        %dma_start3A_77 = tpu.memref_slice %arg3[%add3A, %dma_start3A_75, %dma_start3A_76] : memref<32x81x128xi32, #tpu.memory_space<hbm>> -> memref<1x81x128xi32, #tpu.memory_space<hbm>>
        %dma_start3A_78 = tpu.memref_squeeze %dma_start3A_77 : memref<1x81x128xi32, #tpu.memory_space<hbm>> -> memref<81x128xi32, #tpu.memory_space<hbm>>
        %dma_start3A_79 = arith.constant 0 : i32
        %dma_start3A_80 = tpu.memref_slice %dma_start3A_78[%add3A_58, %dma_start3A_79] : memref<81x128xi32, #tpu.memory_space<hbm>> -> memref<1x128xi32, #tpu.memory_space<hbm>>
        %dma_start3A_81 = tpu.memref_squeeze %dma_start3A_80 : memref<1x128xi32, #tpu.memory_space<hbm>> -> memref<128xi32, #tpu.memory_space<hbm>>
        tpu.enqueue_dma source(%dma_start3A_81 : memref<128xi32, #tpu.memory_space<hbm>>) target(%arg9 : memref<128xi32, #tpu.memory_space<vmem>>) target_semaphore(%run_scoped3A_67 : memref<!tpu.dma_semaphore, #tpu.memory_space<semaphore_mem>>)
        %dma_wait3A_82 = arith.constant 0 : i32
        %dma_wait3A_83 = arith.constant 0 : i32
        %dma_wait3A_84 = tpu.memref_slice %arg3[%add3A, %dma_wait3A_82, %dma_wait3A_83] : memref<32x81x128xi32, #tpu.memory_space<hbm>> -> memref<1x81x128xi32, #tpu.memory_space<hbm>>
        %dma_wait3A_85 = tpu.memref_squeeze %dma_wait3A_84 : memref<1x81x128xi32, #tpu.memory_space<hbm>> -> memref<81x128xi32, #tpu.memory_space<hbm>>
        %dma_wait3A_86 = arith.constant 0 : i32
        %dma_wait3A_87 = tpu.memref_slice %dma_wait3A_85[%add3A_58, %dma_wait3A_86] : memref<81x128xi32, #tpu.memory_space<hbm>> -> memref<1x128xi32, #tpu.memory_space<hbm>>
        %dma_wait3A_88 = tpu.memref_squeeze %dma_wait3A_87 : memref<1x128xi32, #tpu.memory_space<hbm>> -> memref<128xi32, #tpu.memory_space<hbm>>
        %dma_wait3A_89 = arith.constant 0 : i32
        %dma_wait3A_90 = arith.constant 0 : i32
        %dma_wait3A_91 = tpu.memref_slice %arg3[%add3A, %dma_wait3A_89, %dma_wait3A_90] : memref<32x81x128xi32, #tpu.memory_space<hbm>> -> memref<1x81x128xi32, #tpu.memory_space<hbm>>
        %dma_wait3A_92 = tpu.memref_squeeze %dma_wait3A_91 : memref<1x81x128xi32, #tpu.memory_space<hbm>> -> memref<81x128xi32, #tpu.memory_space<hbm>>
        %dma_wait3A_93 = arith.constant 0 : i32
        %dma_wait3A_94 = tpu.memref_slice %dma_wait3A_92[%add3A_58, %dma_wait3A_93] : memref<81x128xi32, #tpu.memory_space<hbm>> -> memref<1x128xi32, #tpu.memory_space<hbm>>
        %dma_wait3A_95 = tpu.memref_squeeze %dma_wait3A_94 : memref<1x128xi32, #tpu.memory_space<hbm>> -> memref<128xi32, #tpu.memory_space<hbm>>
        tpu.wait_dma2 semaphore(%run_scoped3A_67 : memref<!tpu.dma_semaphore, #tpu.memory_space<semaphore_mem>>) src(%dma_wait3A_95 : memref<128xi32, #tpu.memory_space<hbm>>) dst(%arg9 : memref<128xi32, #tpu.memory_space<vmem>>)
        tpu.yield
      }) : () -> ()
      %add3A_59 = arith.constant 1 : i32
      %add3A_60 = arith.addi %mul3A_32, %add3A_59 : i32
      %dma_wait3A_61 = arith.constant 0 : i32
      %dma_wait3A_62 = tpu.memref_slice %arg8[%add3A_60, %dma_wait3A_61] : memref<81x128xi32, #tpu.memory_space<vmem>> -> memref<1x128xi32, #tpu.memory_space<vmem>>
      %dma_wait3A_63 = tpu.memref_squeeze %dma_wait3A_62 : memref<1x128xi32, #tpu.memory_space<vmem>> -> memref<128xi32, #tpu.memory_space<vmem>>
      %dma_wait3A_64 = arith.constant 0 : i32
      %dma_wait3A_65 = arith.constant 0 : i32
      %dma_wait3A_66 = tpu.memref_slice %arg4[%dma_wait3A_64, %dma_wait3A_65] : memref<10000x128xf32, #tpu.memory_space<hbm>> -> memref<10000x128xf32, #tpu.memory_space<hbm>>
      tpu.wait_indirect_dma semaphore(%arg14 : memref<!tpu.dma_semaphore, #tpu.memory_space<semaphore_mem>>) src(%dma_wait3A_66 : memref<10000x128xf32, #tpu.memory_space<hbm>>) dst(%arg12 : memref<128x128xf32, #tpu.memory_space<vmem>>)
      "tpu.region"() ({
        %run_scoped3A_67 = tpu.sem_alloc : memref<!tpu.dma_semaphore, #tpu.memory_space<semaphore_mem>>
        %dma_start3A_68 = arith.constant 0 : i32
        %dma_start3A_69 = arith.constant 0 : i32
        %dma_start3A_70 = tpu.memref_slice %arg7[%dma_start3A_68, %dma_start3A_69] : memref<10240x128xf32, #tpu.memory_space<vmem_shared>> -> memref<10240x128xf32, #tpu.memory_space<vmem_shared>>
        tpu.enqueue_indirect_dma source(%arg12 : memref<128x128xf32, #tpu.memory_space<vmem>>) target(%dma_start3A_70 : memref<10240x128xf32, #tpu.memory_space<vmem_shared>>) offsets(%arg10 : memref<128xi32, #tpu.memory_space<vmem>>) semaphore(%run_scoped3A_67 : memref<!tpu.dma_semaphore, #tpu.memory_space<semaphore_mem>>) {add = true}
        %dma_wait3A_71 = arith.constant 0 : i32
        %dma_wait3A_72 = arith.constant 0 : i32
        %dma_wait3A_73 = tpu.memref_slice %arg7[%dma_wait3A_71, %dma_wait3A_72] : memref<10240x128xf32, #tpu.memory_space<vmem_shared>> -> memref<10240x128xf32, #tpu.memory_space<vmem_shared>>
        tpu.wait_indirect_dma semaphore(%run_scoped3A_67 : memref<!tpu.dma_semaphore, #tpu.memory_space<semaphore_mem>>) src(%arg12 : memref<128x128xf32, #tpu.memory_space<vmem>>) dst(%dma_wait3A_73 : memref<10240x128xf32, #tpu.memory_space<vmem_shared>>)
        tpu.yield
      }) : () -> ()
    }
    %scan3A_15 = arith.constant 40 : i32
    %dma_wait3A = arith.constant 80 : i32
    %dma_wait3A_16 = arith.constant 0 : i32
    %dma_wait3A_17 = tpu.memref_slice %arg8[%dma_wait3A, %dma_wait3A_16] : memref<81x128xi32, #tpu.memory_space<vmem>> -> memref<1x128xi32, #tpu.memory_space<vmem>>
    %dma_wait3A_18 = tpu.memref_squeeze %dma_wait3A_17 : memref<1x128xi32, #tpu.memory_space<vmem>> -> memref<128xi32, #tpu.memory_space<vmem>>
    %dma_wait3A_19 = arith.constant 0 : i32
    %dma_wait3A_20 = arith.constant 0 : i32
    %dma_wait3A_21 = tpu.memref_slice %arg4[%dma_wait3A_19, %dma_wait3A_20] : memref<10000x128xf32, #tpu.memory_space<hbm>> -> memref<10000x128xf32, #tpu.memory_space<hbm>>
    tpu.wait_indirect_dma semaphore(%arg13 : memref<!tpu.dma_semaphore, #tpu.memory_space<semaphore_mem>>) src(%dma_wait3A_21 : memref<10000x128xf32, #tpu.memory_space<hbm>>) dst(%arg11 : memref<128x128xf32, #tpu.memory_space<vmem>>)
    %barrier3A_22 = arith.constant 0 : index
    tpu.barrier barrier_id(%barrier3A_22)
    %mul3A_23 = arith.constant 640 : i32
    %mul3A_24 = arith.muli %arg1, %mul3A_23 : i32
    %mul3A_25 = arith.constant 10240 : i32
    %mul3A_26 = arith.muli %arg0, %mul3A_25 : i32
    %mul3A_27 = arith.constant 640 : i32
    %mul3A_28 = arith.muli %arg1, %mul3A_27 : i32
    %add3A_29 = arith.addi %mul3A_26, %mul3A_28 : i32
    "tpu.region"() ({
      %run_scoped3A_30 = tpu.sem_alloc : memref<!tpu.dma_semaphore, #tpu.memory_space<semaphore_mem>>
      %dma_start3A_31 = arith.constant 0 : i32
      %dma_start3A_32 = tpu.memref_slice %arg6[%add3A_29, %dma_start3A_31] : memref<20480x128xf32, #tpu.memory_space<hbm>> -> memref<640x128xf32, #tpu.memory_space<hbm>>
      %dma_start3A_33 = arith.constant 0 : i32
      %dma_start3A_34 = tpu.memref_slice %arg7[%mul3A_24, %dma_start3A_33] : memref<10240x128xf32, #tpu.memory_space<vmem_shared>> -> memref<640x128xf32, #tpu.memory_space<vmem_shared>>
      tpu.enqueue_dma source(%dma_start3A_34 : memref<640x128xf32, #tpu.memory_space<vmem_shared>>) target(%dma_start3A_32 : memref<640x128xf32, #tpu.memory_space<hbm>>) target_semaphore(%run_scoped3A_30 : memref<!tpu.dma_semaphore, #tpu.memory_space<semaphore_mem>>)
      %dma_wait3A_35 = arith.constant 0 : i32
      %dma_wait3A_36 = tpu.memref_slice %arg6[%add3A_29, %dma_wait3A_35] : memref<20480x128xf32, #tpu.memory_space<hbm>> -> memref<640x128xf32, #tpu.memory_space<hbm>>
      %dma_wait3A_37 = arith.constant 0 : i32
      %dma_wait3A_38 = tpu.memref_slice %arg7[%mul3A_24, %dma_wait3A_37] : memref<10240x128xf32, #tpu.memory_space<vmem_shared>> -> memref<640x128xf32, #tpu.memory_space<vmem_shared>>
      tpu.wait_dma2 semaphore(%run_scoped3A_30 : memref<!tpu.dma_semaphore, #tpu.memory_space<semaphore_mem>>) src(%dma_wait3A_38 : memref<640x128xf32, #tpu.memory_space<vmem_shared>>) dst(%dma_wait3A_36 : memref<640x128xf32, #tpu.memory_space<hbm>>)
      tpu.yield
    }) : () -> ()
    return
  }
}

module attributes {stable_mosaic.version = 14 : i64} {
  func.func @_tc1_body(%arg0: i32, %arg1: memref<1x1000x128xf32, #tpu.memory_space<vmem>>, %arg2: memref<1x1000x128xf32, #tpu.memory_space<vmem>>, %arg3: memref<1000x128xf32, #tpu.memory_space<vmem>>, %arg4: memref<1000x128xf32, #tpu.memory_space<vmem>>, %arg5: memref<1000x128xf32, #tpu.memory_space<vmem>>) attributes {dimension_semantics = [#tpu.dimension_semantics<arbitrary>], iteration_bounds = array<i64: 10>, scalar_prefetch = 0 : i64, scratch_operands = 0 : i64, tpu.core_type = #tpu.core_type<tc>, window_params = [{transform_indices = @transform_0, window_bounds = array<i64: 1, 1000, 128>}, {transform_indices = @transform_1, window_bounds = array<i64: 1, 1000, 128>}, {transform_indices = @transform_2, window_bounds = array<i64: 1000, 128>}, {transform_indices = @transform_3, window_bounds = array<i64: 1000, 128>}, {transform_indices = @transform_4, window_bounds = array<i64: 1000, 128>}]} {
    %get3A = arith.constant 0 : index
    %get3A_0 = arith.constant 0 : index
    %get3A_1 = arith.constant 0 : index
    %get3A_2 = vector.load %arg1[%get3A, %get3A_0, %get3A_1] : memref<1x1000x128xf32, #tpu.memory_space<vmem>>, vector<1x1000x128xf32>
    %get3A_3 = vector.shape_cast %get3A_2 : vector<1x1000x128xf32> to vector<1000x128xf32>
    %get3A_4 = arith.constant 0 : index
    %get3A_5 = arith.constant 0 : index
    %get3A_6 = arith.constant 0 : index
    %get3A_7 = vector.load %arg2[%get3A_4, %get3A_5, %get3A_6] : memref<1x1000x128xf32, #tpu.memory_space<vmem>>, vector<1x1000x128xf32>
    %get3A_8 = vector.shape_cast %get3A_7 : vector<1x1000x128xf32> to vector<1000x128xf32>
    %add3A = arith.addf %get3A_3, %get3A_8 : vector<1000x128xf32>
    %add3A_9 = arith.constant 1.000000e+00 : f32
    %add3A_10 = vector.broadcast %add3A_9 : f32 to vector<1000x128xf32>
    %add3A_11 = arith.addf %add3A, %add3A_10 : vector<1000x128xf32>
    %rsqrt3A = math.rsqrt %add3A_11 : vector<1000x128xf32>
    %swap3A = arith.constant 0 : index
    %swap3A_12 = arith.constant 0 : index
    %swap3A_13 = vector.load %arg4[%swap3A, %swap3A_12] : memref<1000x128xf32, #tpu.memory_space<vmem>>, vector<1000x128xf32>
    tpu.vector_store %arg4[%swap3A, %swap3A_12], %rsqrt3A {strides = array<i32>} : memref<1000x128xf32, #tpu.memory_space<vmem>>, vector<1000x128xf32>,
    %get3A_14 = arith.constant 0 : index
    %get3A_15 = arith.constant 0 : index
    %get3A_16 = vector.load %arg3[%get3A_14, %get3A_15] : memref<1000x128xf32, #tpu.memory_space<vmem>>, vector<1000x128xf32>
    %mul3A = arith.mulf %get3A_16, %rsqrt3A : vector<1000x128xf32>
    %swap3A_17 = arith.constant 0 : index
    %swap3A_18 = arith.constant 0 : index
    %swap3A_19 = vector.load %arg5[%swap3A_17, %swap3A_18] : memref<1000x128xf32, #tpu.memory_space<vmem>>, vector<1000x128xf32>
    tpu.vector_store %arg5[%swap3A_17, %swap3A_18], %mul3A {strides = array<i32>} : memref<1000x128xf32, #tpu.memory_space<vmem>>, vector<1000x128xf32>,
    return
  }
  func.func @transform_0(%arg0: i32) -> (i32, i32, i32) {
    %c0_i32 = arith.constant 0 : i32
    %c0_i32_0 = arith.constant 0 : i32
    %c0_i32_1 = arith.constant 0 : i32
    return %c0_i32, %arg0, %c0_i32_0 : i32, i32, i32
  }
  func.func @transform_1(%arg0: i32) -> (i32, i32, i32) {
    %c1_i32 = arith.constant 1 : i32
    %c0_i32 = arith.constant 0 : i32
    %c0_i32_0 = arith.constant 0 : i32
    return %c1_i32, %arg0, %c0_i32 : i32, i32, i32
  }
  func.func @transform_2(%arg0: i32) -> (i32, i32) {
    %c0_i32 = arith.constant 0 : i32
    %c0_i32_0 = arith.constant 0 : i32
    return %arg0, %c0_i32 : i32, i32
  }
  func.func @transform_3(%arg0: i32) -> (i32, i32) {
    %c0_i32 = arith.constant 0 : i32
    %c0_i32_0 = arith.constant 0 : i32
    return %arg0, %c0_i32 : i32, i32
  }
  func.func @transform_4(%arg0: i32) -> (i32, i32) {
    %c0_i32 = arith.constant 0 : i32
    %c0_i32_0 = arith.constant 0 : i32
    return %arg0, %c0_i32 : i32, i32
  }
}

module attributes {stable_mosaic.version = 14 : i64} {
  func.func @_tc3_body(%arg0: i32, %arg1: memref<1x1000x128xf32, #tpu.memory_space<vmem>>, %arg2: memref<1x1000x128xf32, #tpu.memory_space<vmem>>, %arg3: memref<1000x128xf32, #tpu.memory_space<vmem>>, %arg4: memref<1000x128xf32, #tpu.memory_space<vmem>>, %arg5: memref<1x128xf32, #tpu.memory_space<vmem>>, %arg6: memref<1000x128xf32, #tpu.memory_space<vmem>>) attributes {dimension_semantics = [#tpu.dimension_semantics<arbitrary>], iteration_bounds = array<i64: 10>, scalar_prefetch = 0 : i64, scratch_operands = 0 : i64, tpu.core_type = #tpu.core_type<tc>, window_params = [{transform_indices = @transform_0, window_bounds = array<i64: 1, 1000, 128>}, {transform_indices = @transform_1, window_bounds = array<i64: 1, 1000, 128>}, {transform_indices = @transform_2, window_bounds = array<i64: 1000, 128>}, {transform_indices = @transform_3, window_bounds = array<i64: 1000, 128>}, {pipeline_mode = #tpu.pipeline_mode<synchronous>, transform_indices = @transform_4, window_bounds = array<i64: 1, 128>}, {transform_indices = @transform_5, window_bounds = array<i64: 1000, 128>}]} {
    %get3A = arith.constant 0 : index
    %get3A_0 = arith.constant 0 : index
    %get3A_1 = vector.load %arg4[%get3A, %get3A_0] : memref<1000x128xf32, #tpu.memory_space<vmem>>, vector<1000x128xf32>
    %get3A_2 = arith.constant 0 : index
    %get3A_3 = arith.constant 0 : index
    %get3A_4 = arith.constant 0 : index
    %get3A_5 = vector.load %arg1[%get3A_2, %get3A_3, %get3A_4] : memref<1x1000x128xf32, #tpu.memory_space<vmem>>, vector<1x1000x128xf32>
    %get3A_6 = vector.shape_cast %get3A_5 : vector<1x1000x128xf32> to vector<1000x128xf32>
    %get3A_7 = arith.constant 0 : index
    %get3A_8 = arith.constant 0 : index
    %get3A_9 = arith.constant 0 : index
    %get3A_10 = vector.load %arg2[%get3A_7, %get3A_8, %get3A_9] : memref<1x1000x128xf32, #tpu.memory_space<vmem>>, vector<1x1000x128xf32>
    %get3A_11 = vector.shape_cast %get3A_10 : vector<1x1000x128xf32> to vector<1000x128xf32>
    %add3A = arith.addf %get3A_6, %get3A_11 : vector<1000x128xf32>
    %get3A_12 = arith.constant 0 : index
    %get3A_13 = arith.constant 0 : index
    %get3A_14 = vector.load %arg3[%get3A_12, %get3A_13] : memref<1000x128xf32, #tpu.memory_space<vmem>>, vector<1000x128xf32>
    %add3A_15 = arith.addf %add3A, %get3A_14 : vector<1000x128xf32>
    %mul3A = arith.mulf %get3A_1, %add3A_15 : vector<1000x128xf32>
    %get3A_16 = arith.constant 0 : index
    %get3A_17 = arith.constant 0 : index
    %get3A_18 = vector.load %arg5[%get3A_16, %get3A_17] : memref<1x128xf32, #tpu.memory_space<vmem>>, vector<1x128xf32>
    %add3A_19 = vector.broadcast %get3A_18 : vector<1x128xf32> to vector<1000x128xf32>
    %add3A_20 = arith.addf %mul3A, %add3A_19 : vector<1000x128xf32>
    %swap3A = arith.constant 0 : index
    %swap3A_21 = arith.constant 0 : index
    %swap3A_22 = vector.load %arg6[%swap3A, %swap3A_21] : memref<1000x128xf32, #tpu.memory_space<vmem>>, vector<1000x128xf32>
    tpu.vector_store %arg6[%swap3A, %swap3A_21], %add3A_20 {strides = array<i32>} : memref<1000x128xf32, #tpu.memory_space<vmem>>, vector<1000x128xf32>,
    return
  }
  func.func @transform_0(%arg0: i32) -> (i32, i32, i32) {
    %c0_i32 = arith.constant 0 : i32
    %c0_i32_0 = arith.constant 0 : i32
    %c0_i32_1 = arith.constant 0 : i32
    return %c0_i32, %arg0, %c0_i32_0 : i32, i32, i32
  }
  func.func @transform_1(%arg0: i32) -> (i32, i32, i32) {
    %c1_i32 = arith.constant 1 : i32
    %c0_i32 = arith.constant 0 : i32
    %c0_i32_0 = arith.constant 0 : i32
    return %c1_i32, %arg0, %c0_i32 : i32, i32, i32
  }
  func.func @transform_2(%arg0: i32) -> (i32, i32) {
    %c0_i32 = arith.constant 0 : i32
    %c0_i32_0 = arith.constant 0 : i32
    return %arg0, %c0_i32 : i32, i32
  }
  func.func @transform_3(%arg0: i32) -> (i32, i32) {
    %c0_i32 = arith.constant 0 : i32
    %c0_i32_0 = arith.constant 0 : i32
    return %arg0, %c0_i32 : i32, i32
  }
  func.func @transform_4(%arg0: i32) -> (i32, i32) {
    %c0_i32 = arith.constant 0 : i32
    %c0_i32_0 = arith.constant 0 : i32
    %c0_i32_1 = arith.constant 0 : i32
    return %c0_i32, %c0_i32_0 : i32, i32
  }
  func.func @transform_5(%arg0: i32) -> (i32, i32) {
    %c0_i32 = arith.constant 0 : i32
    %c0_i32_0 = arith.constant 0 : i32
    return %arg0, %c0_i32 : i32, i32
  }
}

module attributes {stable_mosaic.version = 14 : i64} {
  func.func @_tc2_body(%arg0: i32, %arg1: memref<1x1000x128xf32, #tpu.memory_space<vmem>>, %arg2: memref<1x1000x128xf32, #tpu.memory_space<vmem>>, %arg3: memref<1000x128xf32, #tpu.memory_space<vmem>>, %arg4: memref<1000x128xf32, #tpu.memory_space<vmem>>, %arg5: memref<128x256xf32, #tpu.memory_space<vmem>>, %arg6: memref<1x256xf32, #tpu.memory_space<vmem>>, %arg7: memref<256x128xf32, #tpu.memory_space<vmem>>, %arg8: memref<1000x128xf32, #tpu.memory_space<vmem>>) attributes {dimension_semantics = [#tpu.dimension_semantics<arbitrary>], iteration_bounds = array<i64: 10>, scalar_prefetch = 0 : i64, scratch_operands = 0 : i64, tpu.core_type = #tpu.core_type<tc>, window_params = [{transform_indices = @transform_0, window_bounds = array<i64: 1, 1000, 128>}, {transform_indices = @transform_1, window_bounds = array<i64: 1, 1000, 128>}, {transform_indices = @transform_2, window_bounds = array<i64: 1000, 128>}, {transform_indices = @transform_3, window_bounds = array<i64: 1000, 128>}, {pipeline_mode = #tpu.pipeline_mode<synchronous>, transform_indices = @transform_4, window_bounds = array<i64: 128, 256>}, {pipeline_mode = #tpu.pipeline_mode<synchronous>, transform_indices = @transform_5, window_bounds = array<i64: 1, 256>}, {pipeline_mode = #tpu.pipeline_mode<synchronous>, transform_indices = @transform_6, window_bounds = array<i64: 256, 128>}, {transform_indices = @transform_7, window_bounds = array<i64: 1000, 128>}]} {
    %get3A = arith.constant 0 : index
    %get3A_0 = arith.constant 0 : index
    %get3A_1 = vector.load %arg4[%get3A, %get3A_0] : memref<1000x128xf32, #tpu.memory_space<vmem>>, vector<1000x128xf32>
    %get3A_2 = arith.constant 0 : index
    %get3A_3 = arith.constant 0 : index
    %get3A_4 = arith.constant 0 : index
    %get3A_5 = vector.load %arg1[%get3A_2, %get3A_3, %get3A_4] : memref<1x1000x128xf32, #tpu.memory_space<vmem>>, vector<1x1000x128xf32>
    %get3A_6 = vector.shape_cast %get3A_5 : vector<1x1000x128xf32> to vector<1000x128xf32>
    %get3A_7 = arith.constant 0 : index
    %get3A_8 = arith.constant 0 : index
    %get3A_9 = arith.constant 0 : index
    %get3A_10 = vector.load %arg2[%get3A_7, %get3A_8, %get3A_9] : memref<1x1000x128xf32, #tpu.memory_space<vmem>>, vector<1x1000x128xf32>
    %get3A_11 = vector.shape_cast %get3A_10 : vector<1x1000x128xf32> to vector<1000x128xf32>
    %add3A = arith.addf %get3A_6, %get3A_11 : vector<1000x128xf32>
    %get3A_12 = arith.constant 0 : index
    %get3A_13 = arith.constant 0 : index
    %get3A_14 = vector.load %arg3[%get3A_12, %get3A_13] : memref<1000x128xf32, #tpu.memory_space<vmem>>, vector<1000x128xf32>
    %add3A_15 = arith.addf %add3A, %get3A_14 : vector<1000x128xf32>
    %mul3A = arith.mulf %get3A_1, %add3A_15 : vector<1000x128xf32>
    %get3A_16 = arith.constant 0 : index
    %get3A_17 = arith.constant 0 : index
    %get3A_18 = vector.load %arg5[%get3A_16, %get3A_17] : memref<128x256xf32, #tpu.memory_space<vmem>>, vector<128x256xf32>
    %dot_general3A = arith.constant dense<0.000000e+00> : vector<1000x256xf32>
    %dot_general3A_19 = tpu.matmul %mul3A, %get3A_18, %dot_general3A {dimension_numbers = #tpu.dot_dimension_numbers<[1], [0], [0], [1], [0, 0, 1, 1], [], []>, transpose_lhs_hint = false} : vector<1000x128xf32>, vector<128x256xf32>, vector<1000x256xf32> -> vector<1000x256xf32>
    %get3A_20 = arith.constant 0 : index
    %get3A_21 = arith.constant 0 : index
    %get3A_22 = vector.load %arg6[%get3A_20, %get3A_21] : memref<1x256xf32, #tpu.memory_space<vmem>>, vector<1x256xf32>
    %add3A_23 = vector.broadcast %get3A_22 : vector<1x256xf32> to vector<1000x256xf32>
    %add3A_24 = arith.addf %dot_general3A_19, %add3A_23 : vector<1000x256xf32>
    %max3A = arith.constant 0.000000e+00 : f32
    %max3A_25 = vector.broadcast %max3A : f32 to vector<1000x256xf32>
    %max3A_26 = arith.maximumf %add3A_24, %max3A_25 : vector<1000x256xf32>
    %get3A_27 = arith.constant 0 : index
    %get3A_28 = arith.constant 0 : index
    %get3A_29 = vector.load %arg7[%get3A_27, %get3A_28] : memref<256x128xf32, #tpu.memory_space<vmem>>, vector<256x128xf32>
    %dot_general3A_30 = arith.constant dense<0.000000e+00> : vector<1000x128xf32>
    %dot_general3A_31 = tpu.matmul %max3A_26, %get3A_29, %dot_general3A_30 {dimension_numbers = #tpu.dot_dimension_numbers<[1], [0], [0], [1], [0, 0, 1, 1], [], []>, transpose_lhs_hint = false} : vector<1000x256xf32>, vector<256x128xf32>, vector<1000x128xf32> -> vector<1000x128xf32>
    %get3A_32 = arith.constant 0 : index
    %get3A_33 = arith.constant 0 : index
    %get3A_34 = vector.load %arg4[%get3A_32, %get3A_33] : memref<1000x128xf32, #tpu.memory_space<vmem>>, vector<1000x128xf32>
    %mul3A_35 = arith.mulf %dot_general3A_31, %get3A_34 : vector<1000x128xf32>
    %swap3A = arith.constant 0 : index
    %swap3A_36 = arith.constant 0 : index
    %swap3A_37 = vector.load %arg8[%swap3A, %swap3A_36] : memref<1000x128xf32, #tpu.memory_space<vmem>>, vector<1000x128xf32>
    tpu.vector_store %arg8[%swap3A, %swap3A_36], %mul3A_35 {strides = array<i32>} : memref<1000x128xf32, #tpu.memory_space<vmem>>, vector<1000x128xf32>,
    return
  }
  func.func @transform_0(%arg0: i32) -> (i32, i32, i32) {
    %c0_i32 = arith.constant 0 : i32
    %c0_i32_0 = arith.constant 0 : i32
    %c0_i32_1 = arith.constant 0 : i32
    return %c0_i32, %arg0, %c0_i32_0 : i32, i32, i32
  }
  func.func @transform_1(%arg0: i32) -> (i32, i32, i32) {
    %c1_i32 = arith.constant 1 : i32
    %c0_i32 = arith.constant 0 : i32
    %c0_i32_0 = arith.constant 0 : i32
    return %c1_i32, %arg0, %c0_i32 : i32, i32, i32
  }
  func.func @transform_2(%arg0: i32) -> (i32, i32) {
    %c0_i32 = arith.constant 0 : i32
    %c0_i32_0 = arith.constant 0 : i32
    return %arg0, %c0_i32 : i32, i32
  }
  func.func @transform_3(%arg0: i32) -> (i32, i32) {
    %c0_i32 = arith.constant 0 : i32
    %c0_i32_0 = arith.constant 0 : i32
    return %arg0, %c0_i32 : i32, i32
  }
  func.func @transform_4(%arg0: i32) -> (i32, i32) {
    %c0_i32 = arith.constant 0 : i32
    %c0_i32_0 = arith.constant 0 : i32
    %c0_i32_1 = arith.constant 0 : i32
    return %c0_i32, %c0_i32_0 : i32, i32
  }
  func.func @transform_5(%arg0: i32) -> (i32, i32) {
    %c0_i32 = arith.constant 0 : i32
    %c0_i32_0 = arith.constant 0 : i32
    %c0_i32_1 = arith.constant 0 : i32
    return %c0_i32, %c0_i32_0 : i32, i32
  }
  func.func @transform_6(%arg0: i32) -> (i32, i32) {
    %c0_i32 = arith.constant 0 : i32
    %c0_i32_0 = arith.constant 0 : i32
    %c0_i32_1 = arith.constant 0 : i32
    return %c0_i32, %c0_i32_0 : i32, i32
  }
  func.func @transform_7(%arg0: i32) -> (i32, i32) {
    %c0_i32 = arith.constant 0 : i32
    %c0_i32_0 = arith.constant 0 : i32
    return %arg0, %c0_i32 : i32, i32
  }
}

</mosaic_0001>

<sc_bundles>
// kernel: kernel.11.cloned.1.call-start
scs
__scs_entry_jumppad:
0x0: {  	(pc) =	sbr.rel $0x88, $3  }
0x1: {  	(tag) =	ssettag $0x0;
	lr =	simm.s32 $0x1  }
0x2: {  	[smem:$0x3F9B] =	sst lr;
	_ =	strace $0xD0000000  }
0x3: {  	_ = 	snop  }
0x4: {  	_ = 	snop  }
0x5: {  	_ = 	snop  }
0x6: {  	_ = 	snop  }
0x7: {  	_ = 	snop  }
__scs_overlays_trampoline_lowered:
0x8: {  	[smem:$0x3FAA] =	sst s0  }
0x9: {  	[smem:$0x3FAB] =	sst s1  }
0xa: {  	[smem:$0x3FAC] =	sst s2  }
0xb: {  	[smem:$0x3FAD] =	sst s3  }
0xc: {  	[smem:$0x3FAE] =	sst s4  }
0xd: {  	[smem:$0x3FAF] =	sst s5  }
0xe: {  	[smem:$0x3FB0] =	sst s6  }
0xf: {  	[smem:$0x3FB1] =	sst s7  }
0x10: {  	[smem:$0x3FB2] =	sst s8  }
0x11: {  	[smem:$0x3FB3] =	sst s9;
	s0 =	simm.s32 @!p0 $0x0  }
0x12: {  	s1 =	sld [smem:$0x3F99];
	s0 =	simm.s32 @p0 $0x1  }
0x13: {  	[smem:$0x3FB4] =	sst s0;
	s0 =	simm.s32 @!p1 $0x0  }
0x14: {  	s2 =	sld [smem:$0x3F98];
	s0 =	simm.s32 @p1 $0x1  }
0x15: {  	[smem:$0x3FB5] =	sst s0;
	s0 =	simm.s32 @!p2 $0x0  }
0x16: {  	s3 =	sld [smem:$0x3FDB];
	s0 =	simm.s32 @p2 $0x1  }
0x17: {  	s4 =	simm.s32 $0x1BF5;
	[smem:$0x3FB7] =	sst s0  }
0x18: {  	s0 =	sld [smem:$0x3F9A];
	_ =	swait.ge [sflag:s4], $0x0  }
0x19: {  	s7 =	sld [smem:$0x3F9B]  }
0x1a: {  	s8 =	sadd.s32 $0xFFFFE003, lr  }
0x1b: {  	s9 =	sadd.s32 $0xFFFFFEF7, lr;
	s5 =	simm.s32 $0xFFFFFFFF;
	p2 =	slt.u32 s8, $0xFFFFF086  }
0x1c: {  	p1 =	slt.u32 s9, $0xF7A;
	s5 =	simm.s32 @!p2 $0x0  }
0x1d: {  	s5 =	simm.s32 @p1 $0x1;
	p0 =	seq.s32 s7, s2  }
0x1e: {  	s7 =	smul.u32 @!p0 $0xF7A, s2;
	p2 =	seq.s32 @!p0 s5, $0x0  }
0x1f: {  	s9 =	smul.u32 $0xF7A, s1;
	s8 =	simm.s32 @!p0 $0x1BF5;
	p2 =	por !p2, p0  }
0x20: {  	[sflag:s8] =	ssyncset.s32 @!p0 $0xFFFFF086;
	s6 =	sadd.s32 @!p0 s3, s7;
	s7 =	simm.s32 @!p0 $0x108  }
0x21: {  	s3 =	sadd.s32 s3, s9;
	s6 =	sadd.s32 @!p0 $0x88, s6;
	s7 =	simm.s32 @p2 $0x1082  }
0x22: {  	[simem:s7], [sflag:s8] =	dma.local @!p0 [hbm:s6], $0xF7A  }
0x23: {  	s9 =	sor.u32 $0xD0000000, s2;
	s6 =	simm.s32 $0x108;
	_ =	swait.ge @!p0 [sflag:s8], $0x0  }
0x24: {  	s3 =	sadd.s32 $0x88, s3;
	s6 =	simm.s32 @!p1 $0x1082;
	[sflag:s4] =	ssyncset.s32 $0xFFFFF086  }
0x25: {  	[simem:s6], [sflag:s4] =	dma.local [hbm:s3], $0xF7A  }
0x26: {  	[smem:$0x3F9B] =	sst s1;
	(tag) =	ssettag s2;
	_ =	strace s9  }
0x27: {  	s1 =	sld [smem:$0x3FAB]  }
0x28: {  	s2 =	sld [smem:$0x3FAC]  }
0x29: {  	s4 =	sld [smem:$0x3FAE]  }
0x2a: {  	p0 =	seq.s32 s5, $0x0;
	s5 =	sld [smem:$0x3FAF]  }
0x2b: {  	s6 =	sld [smem:$0x3FB0]  }
0x2c: {  	s7 =	sld [smem:$0x3FB1]  }
0x2d: {  	s3 =	simm.s32 $0x108;
	s8 =	sld [smem:$0x3FB2]  }
0x2e: {  	s3 =	simm.s32 @!p0 $0x1082;
	s9 =	sld [smem:$0x3FB3]  }
0x2f: {  	lr =	sadd.s32 s0, s3;
	s0 =	sld [smem:$0x3FAA]  }
0x30: {  	s3 =	sld [smem:$0x3FAD]  }
0x31: {  	[smem:$0x3FB6] =	sst s10  }
0x32: {  	s10 =	sld [smem:$0x3FB4];
	_ =	sdelay $0x3  }
0x33: {  	p0 =	seq.s32 s10, $0x1;
	s10 =	sld [smem:$0x3FB6];
	_ =	sdelay $0x3  }
0x34: {  	[smem:$0x3FB6] =	sst s10  }
0x35: {  	s10 =	sld [smem:$0x3FB5];
	_ =	sdelay $0x3  }
0x36: {  	p1 =	seq.s32 s10, $0x1;
	s10 =	sld [smem:$0x3FB6];
	_ =	sdelay $0x3  }
0x37: {  	[smem:$0x3FB6] =	sst s10  }
0x38: {  	s10 =	sld [smem:$0x3FB7]  }
0x39: {  	_ = 	snop;
	(pc) =	sbr.ind lr, $3  }
0x3a: {  	_ = 	snop  }
0x3b: {  	_ = 	snop  }
0x3c: {  	p2 =	seq.s32 s10, $0x1;
	s10 =	sld [smem:$0x3FB6]  }
0x3d: {  	_ =	shalt  }
0x3e: {  	_ =	shalt  }
0x3f: {  	_ =	shalt  }
0x40: {  	_ =	shalt  }
0x41: {  	_ =	shalt  }
0x42: {  	_ =	shalt  }
0x43: {  	_ =	shalt  }
0x44: {  	_ =	shalt  }
0x45: {  	_ =	shalt  }
0x46: {  	_ =	shalt  }
0x47: {  	_ =	shalt  }
0x48: {  	_ =	shalt  }
0x49: {  	_ =	shalt  }
0x4a: {  	_ =	shalt  }
0x4b: {  	_ =	shalt  }
0x4c: {  	_ =	shalt  }
0x4d: {  	_ =	shalt  }
0x4e: {  	_ =	shalt  }
0x4f: {  	_ =	shalt  }
0x50: {  	_ =	shalt  }
0x51: {  	_ =	shalt  }
0x52: {  	_ =	shalt  }
0x53: {  	_ =	shalt  }
0x54: {  	_ =	shalt  }
0x55: {  	_ =	shalt  }
0x56: {  	_ =	shalt  }
0x57: {  	_ =	shalt  }
0x58: {  	_ =	shalt  }
0x59: {  	_ =	shalt  }
0x5a: {  	_ =	shalt  }
0x5b: {  	_ =	shalt  }
0x5c: {  	_ =	shalt  }
0x5d: {  	_ =	shalt  }
0x5e: {  	_ =	shalt  }
0x5f: {  	_ =	shalt  }
0x60: {  	_ =	shalt  }
0x61: {  	_ =	shalt  }
0x62: {  	_ =	shalt  }
0x63: {  	_ =	shalt  }
0x64: {  	_ =	shalt  }
0x65: {  	_ =	shalt  }
0x66: {  	_ =	shalt  }
0x67: {  	_ =	shalt  }
0x68: {  	_ =	shalt  }
0x69: {  	_ =	shalt  }
0x6a: {  	_ =	shalt  }
0x6b: {  	_ =	shalt  }
0x6c: {  	_ =	shalt  }
0x6d: {  	_ =	shalt  }
0x6e: {  	_ =	shalt  }
0x6f: {  	_ =	shalt  }
0x70: {  	_ =	shalt  }
0x71: {  	_ =	shalt  }
0x72: {  	_ =	shalt  }
0x73: {  	_ =	shalt  }
0x74: {  	_ =	shalt  }
0x75: {  	_ =	shalt  }
0x76: {  	_ =	shalt  }
0x77: {  	_ =	shalt  }
0x78: {  	_ =	shalt  }
0x79: {  	_ =	shalt  }
0x7a: {  	_ =	shalt  }
0x7b: {  	_ =	shalt  }
0x7c: {  	_ =	shalt  }
0x7d: {  	_ =	shalt  }
0x7e: {  	_ =	shalt  }
0x7f: {  	_ =	shalt  }
0x80: {  	_ =	shalt  }
0x81: {  	_ =	shalt  }
0x82: {  	_ =	shalt  }
0x83: {  	_ =	shalt  }
0x84: {  	_ =	shalt  }
0x85: {  	_ =	shalt  }
0x86: {  	_ =	shalt  }
0x87: {  	_ =	shalt  }
.Lfunc_end0:
.L_simem_size_0:
called_computation.1_lowered:
.L_overlay_start_0:
0x88: {  	s2 =	sld [smem:$0x3FD9]  }
0x89: {  	s3 =	sld [smem:$0x3FFE];
	_ =	sdelay $0x1  }
0x8a: {  	s1 =	srdreg.scid  }
0x8b: {  	s0 =	sand.u32 $0x1, s1  }
0x8c: {  	s17 =	sshll.u32 s0, $0xA;
	s2 =	sadd.s32 s3, s2  }
0x8d: {  	s2 =	sadd.s32 s2, s17  }
0x8e: {  	[smem:$0x3FC2] =	sst s2  }
0x8f: {  	_ = 	snop  }
0x90: {  	s2 =	sld [smem:$0x3FD0];
	(tm) =	ssettm $0x1  }
0x91: {  	s18 =	sld [smem:$0x3FFB];
	_ =	sdelay $0x3  }
0x92: {  	_ =	strace s18  }
0x93: {  	s3 =	sld [smem:$0x3FFC];
	_ =	sdelay $0x3  }
0x94: {  	_ =	strace s3  }
0x95: {  	s3 =	sld [smem:$0x3FFD];
	_ =	sdelay $0x3  }
0x96: {  	_ =	strace s3  }
0x97: {  	_ =	strace $0x8FFFFFFF  }
0x98: {  	s19 =	sld [smem:$0x3FDB];
	_ =	sdelay $0x1  }
0x99: {  	s4 =	simm.s32 $_scs_section_size  }
0x9a: {  	s5 =	simm.s32 $_size__tile_overlayer_lowered;
	s6 =	simm.s32 $_tile_overlayer_lowered  }
0x9b: {  	s22 =	simm.s32 $0x1BFF;
	s21 =	sshll.u32 s6, $0x1;
	s3 =	sadd.s32 s4, s19  }
0x9c: {  	s7 =	simm.s32 $0x0;
	s20 =	sshll.u32 s5, $0x1;
	s5 =	sadd.s32 s21, s3  }
0x9d: {  	[timem:s7], [sflag:s22] =	dma.local [hbm:s5], s20  }
0x9e: {  	_ =	swait.ge [sflag:s22], s20  }
0x9f: {  	s4 =	ssub.s32 $0x0, s20;
	[sflag:s22] =	ssyncset.done $0x0  }
0xa0: {  	[sflag:s22] =	ssyncadd.s32 s4;
	_ =	sdelay $0x1  }
0xa1: {  	s23 =	simm.s32 $0x1B8B  }
0xa2: {  	_ =	swait.ge [sflag:s23], $0x1  }
0xa3: {  	[sflag:s23] =	ssyncset.done $0x0  }
0xa4: {  	s25 =	simm.s32 $0x1B8E;
	s24 =	sld [smem:$0x3FFE];
	[sflag:s23] =	ssyncadd.s32 $0xFFFFFFFF  }
0xa5: {  	s26 =	simm.s32 $execute0_lowered;
	[smem:$0x3FD2] =	sst s25  }
0xa6: {  	s5 =	sshll.u32 s26, $0x1;
	_ =	strace $0x80000049;
	[dreg:$0x1] =	wrdreg $0xFFFFFFFF  }
0xa7: {  	s28 =	simm.s32 $_size_execute0_lowered;
	s3 =	sadd.s32 s3, s5;
	[dreg:$0x0] =	wrdreg $0x0  }
0xa8: {  	s5 =	sshll.u32 s28, $0x1;
	[dreg:$0x2] =	wrdreg s3  }
0xa9: {  	[dreg:$0x3] =	wrdreg s5  }
0xaa: {  	[dreg:$0x4] =	wrdreg $0xC0  }
0xab: {  	_ =	task [dreg:s7], $0x5FFFF  }
0xac: {  	[dreg:$0x1] =	wrdreg $0xFFFFFFFF  }
0xad: {  	[dreg:$0x0] =	wrdreg $0x60  }
0xae: {  	[dreg:$0x2] =	wrdreg s24  }
0xaf: {  	[dreg:$0x3] =	wrdreg s2  }
0xb0: {  	[dreg:$0x4] =	wrdreg $0x0  }
0xb1: {  	[dreg:$0x5] =	wrdreg $0x9  }
0xb2: {  	_ =	task.clear_ibuf [dreg:s7], $0x6FFFF;
	_ =	strace $0x90000049  }
0xb3: {  	s29 =	simm.s32 $0x9;
	_ =	strace $0x8000004B  }
0xb4: {  	_ =	swait.ge [sflag:s29], $0x1  }
0xb5: {  	[sflag:s29] =	ssyncadd.s32 $0xFFFFFFFF  }
0xb6: {  	_ =	strace $0x9000004B  }
0xb7: {  	_ =	sfence  }
0xb8: {  	s30 =	sld [smem:$0x0];
	_ =	sdelay $0x2  }
0xb9: {  	s31 =	sshll.u32 s1, $0xD;
	s1 =	sshrl.u32 s1, $0x2  }
0xba: {  	s3 =	sand.u32 $0x4000, s31;
	s1 =	sadd.s32 s1, s30  }
0xbb: {  	s0 =	sor.u32 s3, s0;
	s1 =	sshll.u32 s1, $0x11  }
0xbc: {  	s0 =	sor.u32 s1, s0  }
0xbd: {  	s0 =	sadd.s32 $0x8F2B, s0  }
0xbe: {  	[sflag:s0] =	ssyncadd.remote.s32 $0x1  }
0xbf: {  	_ =	sfence.sel $0xFFFF  }
0xc0: {  	[dreg:$0x0] =	wrdreg $0xFFFFFFFF;
	(pc) =	sbr.abs _section_cstart, $3  }
0xc1: {  	[dreg:$0x1] =	wrdreg $0xFFFFFFFF  }
0xc2: {  	_ =	task.clear_ibuf [dreg:s7], $0x2FFFF;
	_ =	strace $0x9FFFFFFF  }
0xc3: {  	(tm) =	ssettm $0x7FFFFFFF  }
tec
execute0_lowered:
.L_overlay_start_1:
0x0: {  	(tag) =	ssettag $0x1  }
0x1: {  	s6 =	rddreg [dreg:$0x0]  }
0x2: {  	s2 =	rddreg [dreg:$0x1]  }
0x3: {  	s0 =	srdreg.scid;
	s3 =	rddreg [dreg:$0x2];
	s4 =	simm.s32 $0x0  }
0x4: {  	s14 =	simm.s32 $0x16C00;
	s15 =	simm.s32 $0x80;
	s16 =	simm.s32 $0x16D00  }
0x5: {  	s18 =	simm.s32 $0x1AD00;
	s5 =	sand.u32 $0x1, s0;
	s0 =	stileid.u32  }
0x6: {  	s19 =	simm.s32 $0x16C80;
	s20 =	simm.s32 $0x1;
	s8 =	smul.u32 $0x2800, s0  }
0x7: {  	s21 =	simm.s32 $0x2;
	s22 =	simm.s32 $0x0;
	s9 =	smul.u32 $0x28000, s5  }
0x8: {  	[smem:$0x7FF] =	sst s4;
	s1 =	sshll.u32 s5, $0x4;
	s29 =	smul.u32 $0x50000, s0  }
0x9: {  	s5 =	ssub.s32 $0x2, s5;
	s31 =	sshll.u32 s0, $0x6;
	s1 =	sor.u32 s0, s1  }
0xa: {  	s30 =	sshrl.u32 s5, $0x1;
	s7 =	smul.u32 $0x580, s1;
	s1 =	rddreg [dreg:$0x3]  }
0xb: {  	_ =	strace $0x8000004A;
	s11 =	sadd.s32 s8, s6;
	s8 =	sadd.s32 s8, s9  }
0xc: {  	s12 =	ssub.s32 s5, s30;
	s9 =	sadd.s32 s8, s6;
	s5 =	sadd.s32 $0xD800, s11  }
0xd: {  	s10 =	sadd.s32 s7, s6;
	s7 =	sshrl.u32 s29, $0x2;
	s6 =	sor.u32 $0x1C03, s31  }
0xe: {  	s9 =	sadd.s32 $0x35800, s9;
	s13 =	sadd.s32 s7, s3;
	s7 =	sadd.s32 $0x85800, s10  }
0xf: {  	s8 =	sadd.s32 $0x2800, s10;
	s10 =	smax.u32 s12, $0x1;
	s12 =	simm.s32 $0x3  }
0x10: {  	s11 =	sshrl.u32 s13, $0x3;
	s13 =	simm.s32 $0x14000;
	s17 =	sadd.s32 $0x20, s8  }
.LBB2_1:
0x11: {  	[spmem:s11], [sflag:s6] =	dma.local [hbm:s5], $0x2800  }
0x12: {  	_ =	swait.ge [sflag:s12], $0x2800  }
0x13: {  	[sflag:s12] =	ssyncset.done $0x0  }
0x14: {  	[sflag:s12] =	ssyncadd.s32 $0xFFFFD800  }
0x15: {  	[tilespmem:s13], [sflag:$0x3] =	stream.linear.gather [hbm4b:s7+s4], $0x2880, $0x38;
	[tilespmem:$0x1ED00] =	vst v63  }
0x16: {  	_ =	swait.ge [sflag:s12], $0x2880  }
0x17: {  	[sflag:s12] =	ssyncset.done $0x0  }
0x18: {  	[sflag:s12] =	ssyncadd.s32 $0xFFFFD780  }
0x19: {  	[bflag:$0x0] =	sbarrier.arrive $0xFFFF  }
0x1a: {  	[tilespmem:s14], [sflag:$0x3] =	stream.linear.gather [hbm4b:s8+s4], $0x80, $0x38;
	[tilespmem:$0x1ED00] =	vst v63  }
0x1b: {  	_ =	swait.ge [sflag:s12], $0x80  }
0x1c: {  	[sflag:s12] =	ssyncset.done $0x0  }
0x1d: {  	s23 =	sand.u32 $0x780, s4;
	s24 =	simm.s32 $0x10;
	[sflag:s12] =	ssyncadd.s32 $0xFFFFFF80  }
0x1e: {  	[tilespmem:s16], [sflag:$0x1] =	stream.indirect.gather [hbm4b:s2+s15], $0x80, s13, s15, $0xb8;
	[tilespmem:$0x1ED00] =	vst v63  }
0x1f: {  	s25 =	simm.s32 $0x14080;
	s24 =	sand.u32 $0x70, s24;
	s23 =	sadd.s32 s8, s23  }
0x20: {  	[tilespmem:s18], [sflag:$0x2] =	stream.indirect.gather [hbm4b:s2+s15], $0x80, s25, s15, $0xb8;
	[tilespmem:$0x1ED00] =	vst v63  }
0x21: {  	s23 =	sadd.s32 s24, s23  }
0x22: {  	[tilespmem:s19], [sflag:$0x3] =	stream.linear.gather [hbm4b:s23+s4], $0x80, $0x38;
	[tilespmem:$0x1ED00] =	vst v63  }
0x23: {  	_ =	swait.ge [sflag:s12], $0x80  }
0x24: {  	[sflag:s12] =	ssyncset.done $0x0  }
0x25: {  	[sflag:s12] =	ssyncadd.s32 $0xFFFFFF80  }
0x26: {  	_ =	swait.ge [sflag:s20], $0x4000  }
0x27: {  	[sflag:s20] =	ssyncset.done $0x0  }
0x28: {  	[sflag:s20] =	ssyncadd.s32 $0xFFFFC000  }
0x29: {  	[spmem:s3] =	stream.indirect.scatter.add.f32 [tilespmem:s16], [sflag:$0x3], $0x80, s14, s15, $0xb8;
	[tilespmem:$0x1ED00] =	vst v63  }
0x2a: {  	_ =	swait.ge [sflag:s12], $0x4000  }
0x2b: {  	[sflag:s12] =	ssyncset.done $0x0  }
0x2c: {  	s30 =	simm.s32 $0x14100;
	[sflag:s12] =	ssyncadd.s32 $0xFFFFC000  }
0x2d: {  	[tilespmem:s16], [sflag:$0x1] =	stream.indirect.gather [hbm4b:s2+s15], $0x80, s30, s15, $0xb8;
	[tilespmem:$0x1ED00] =	vst v63  }
0x2e: {  	s31 =	sadd.s32 $0x0, s17  }
0x2f: {  	[tilespmem:s14], [sflag:$0x3] =	stream.linear.gather [hbm4b:s31+s4], $0x80, $0x38;
	[tilespmem:$0x1ED00] =	vst v63  }
0x30: {  	_ =	swait.ge [sflag:s12], $0x80  }
0x31: {  	[sflag:s12] =	ssyncset.done $0x0  }
0x32: {  	[sflag:s12] =	ssyncadd.s32 $0xFFFFFF80  }
0x33: {  	_ =	swait.ge [sflag:s21], $0x4000  }
0x34: {  	s24 =	simm.s32 $0x14180;
	[sflag:s21] =	ssyncset.done $0x0  }
0x35: {  	s25 =	simm.s32 $0x40;
	s23 =	simm.s32 $0x20;
	[sflag:s21] =	ssyncadd.s32 $0xFFFFC000  }
0x36: {  	[spmem:s3] =	stream.indirect.scatter.add.f32 [tilespmem:s18], [sflag:$0x3], $0x80, s19, s15, $0xb8;
	[tilespmem:$0x1ED00] =	vst v63  }
.LBB2_2:
0x37: {  	s26 =	sand.u32 $0x780, s23  }
0x38: {  	s28 =	sadd.s32 $0x10, s23;
	_ =	swait.ge [sflag:s12], $0x4000;
	s29 =	smov.u32 s25  }
0x39: {  	s28 =	sand.u32 $0x70, s28;
	s26 =	sadd.s32 s8, s26;
	[sflag:s12] =	ssyncset.done $0x0  }
0x3a: {  	s30 =	sadd.s32 $0x20, s25;
	s26 =	sadd.s32 s28, s26;
	[sflag:s12] =	ssyncadd.s32 $0xFFFFC000  }
0x3b: {  	[tilespmem:s18], [sflag:$0x2] =	stream.indirect.gather [hbm4b:s2+s15], $0x80, s24, s15, $0xb8;
	[tilespmem:$0x1ED00] =	vst v63  }
0x3c: {  	p0 =	sne.s32 s25, $0x4E0  }
0x3d: {  	[tilespmem:s19], [sflag:$0x3] =	stream.linear.gather [hbm4b:s26+s4], $0x80, $0x38;
	[tilespmem:$0x1ED00] =	vst v63  }
0x3e: {  	_ =	swait.ge [sflag:s12], $0x80  }
0x3f: {  	[sflag:s12] =	ssyncset.done $0x0  }
0x40: {  	[sflag:s12] =	ssyncadd.s32 $0xFFFFFF80  }
0x41: {  	_ =	swait.ge [sflag:s20], $0x4000  }
0x42: {  	[sflag:s20] =	ssyncset.done $0x0  }
0x43: {  	[sflag:s20] =	ssyncadd.s32 $0xFFFFC000  }
0x44: {  	[spmem:s3] =	stream.indirect.scatter.add.f32 [tilespmem:s16], [sflag:$0x3], $0x80, s14, s15, $0xb8;
	[tilespmem:$0x1ED00] =	vst v63  }
0x45: {  	s25 =	sadd.s32 $0x80, s24;
	_ =	swait.ge [sflag:s12], $0x4000  }
0x46: {  	[sflag:s12] =	ssyncset.done $0x0  }
0x47: {  	s26 =	sadd.s32 s23, s17;
	s23 =	smov.u32 s29;
	[sflag:s12] =	ssyncadd.s32 $0xFFFFC000  }
0x48: {  	[tilespmem:s16], [sflag:$0x1] =	stream.indirect.gather [hbm4b:s2+s15], $0x80, s25, s15, $0xb8;
	[tilespmem:$0x1ED00] =	vst v63  }
0x49: {  	_ = 	snop  }
0x4a: {  	[tilespmem:s14], [sflag:$0x3] =	stream.linear.gather [hbm4b:s26+s4], $0x80, $0x38;
	[tilespmem:$0x1ED00] =	vst v63  }
0x4b: {  	_ =	swait.ge [sflag:s12], $0x80  }
0x4c: {  	[sflag:s12] =	ssyncset.done $0x0  }
.Ltmp0:
0x4d: {  	[sflag:s12] =	ssyncadd.s32 $0xFFFFFF80;
	(pc) =	sbr.rel @p0 .LBB2_2-.Ltmp0, $4  }
0x4e: {  	_ =	swait.ge [sflag:s21], $0x4000  }
0x4f: {  	[sflag:s21] =	ssyncset.done $0x0  }
0x50: {  	s24 =	sadd.s32 $0x100, s24;
	s25 =	smov.u32 s30;
	[sflag:s21] =	ssyncadd.s32 $0xFFFFC000  }
0x51: {  	[spmem:s3] =	stream.indirect.scatter.add.f32 [tilespmem:s18], [sflag:$0x3], $0x80, s19, s15, $0xb8;
	[tilespmem:$0x1ED00] =	vst v63  }
0x52: {  	_ =	swait.ge [sflag:s12], $0x4000  }
0x53: {  	s25 =	sand.u32 $0x780, s23;
	s26 =	sadd.s32 $0x10, s23;
	[sflag:s12] =	ssyncset.done $0x0  }
0x54: {  	s26 =	sand.u32 $0x70, s26;
	s25 =	sadd.s32 s8, s25;
	[sflag:s12] =	ssyncadd.s32 $0xFFFFC000  }
0x55: {  	[tilespmem:s18], [sflag:$0x2] =	stream.indirect.gather [hbm4b:s2+s15], $0x80, s24, s15, $0xb8;
	[tilespmem:$0x1ED00] =	vst v63  }
0x56: {  	s25 =	sadd.s32 s26, s25  }
0x57: {  	[tilespmem:s19], [sflag:$0x3] =	stream.linear.gather [hbm4b:s25+s4], $0x80, $0x38;
	[tilespmem:$0x1ED00] =	vst v63  }
0x58: {  	_ =	swait.ge [sflag:s12], $0x80  }
0x59: {  	[sflag:s12] =	ssyncset.done $0x0  }
0x5a: {  	[sflag:s12] =	ssyncadd.s32 $0xFFFFFF80  }
0x5b: {  	_ =	swait.ge [sflag:s20], $0x4000  }
0x5c: {  	[sflag:s20] =	ssyncset.done $0x0  }
0x5d: {  	[sflag:s20] =	ssyncadd.s32 $0xFFFFC000  }
0x5e: {  	[spmem:s3] =	stream.indirect.scatter.add.f32 [tilespmem:s16], [sflag:$0x3], $0x80, s14, s15, $0xb8;
	[tilespmem:$0x1ED00] =	vst v63  }
0x5f: {  	_ =	swait.ge [sflag:s12], $0x4000  }
0x60: {  	[sflag:s12] =	ssyncset.done $0x0  }
0x61: {  	s30 =	sadd.s32 $0x80, s24;
	[sflag:s12] =	ssyncadd.s32 $0xFFFFC000  }
0x62: {  	[tilespmem:s16], [sflag:$0x1] =	stream.indirect.gather [hbm4b:s2+s15], $0x80, s30, s15, $0xb8;
	[tilespmem:$0x1ED00] =	vst v63  }
0x63: {  	s31 =	sadd.s32 s23, s17  }
0x64: {  	[tilespmem:s14], [sflag:$0x3] =	stream.linear.gather [hbm4b:s31+s4], $0x80, $0x38;
	[tilespmem:$0x1ED00] =	vst v63  }
0x65: {  	_ =	swait.ge [sflag:s12], $0x80  }
0x66: {  	[sflag:s12] =	ssyncset.done $0x0  }
0x67: {  	[sflag:s12] =	ssyncadd.s32 $0xFFFFFF80  }
0x68: {  	_ =	swait.ge [sflag:s21], $0x4000  }
0x69: {  	[sflag:s21] =	ssyncset.done $0x0  }
0x6a: {  	[sflag:s21] =	ssyncadd.s32 $0xFFFFC000  }
0x6b: {  	[spmem:s3] =	stream.indirect.scatter.add.f32 [tilespmem:s18], [sflag:$0x3], $0x80, s19, s15, $0xb8;
	[tilespmem:$0x1ED00] =	vst v63  }
0x6c: {  	_ =	swait.ge [sflag:s12], $0x4000  }
0x6d: {  	[sflag:s12] =	ssyncset.done $0x0  }
0x6e: {  	[sflag:s12] =	ssyncadd.s32 $0xFFFFC000  }
0x6f: {  	_ =	swait.ge [sflag:s20], $0x4000  }
0x70: {  	s22 =	sadd.s32 $0x1, s22;
	[sflag:s20] =	ssyncset.done $0x0  }
0x71: {  	p0 =	sne.s32 s22, s10;
	[sflag:s20] =	ssyncadd.s32 $0xFFFFC000  }
.Ltmp1:
0x72: {  	[bflag:$0x0] =	sbarrier.arrive $0xFFFF;
	(pc) =	sbr.rel @p0 .LBB2_1-.Ltmp1, $4  }
0x73: {  	[hbm:s9], [sflag:s6] =	dma.local [spmem:s11], $0x2800  }
0x74: {  	_ =	swait.ge [sflag:s12], $0x2800  }
0x75: {  	[sflag:s12] =	ssyncset.done $0x0  }
0x76: {  	[sflag:s12] =	ssyncadd.s32 $0xFFFFD800  }
0x77: {  	_ =	sfence.sel $0x180000  }
0x78: {  	[bflag:$0x0] =	sbarrier.arrive $0xFFFF  }
0x79: {  	p0 =	sne.s32 s0, $0x0;
	_ =	strace $0x9000004A  }
0x7a: {  	s0 =	sadd.s32 @!p0 $0x100000, s1;
	[bflag:$0x2] =	sbarrier.arrive $0xFFFF  }
0x7b: {  	[sflag:s0] =	ssyncadd.tile.s32 @!p0 $0x1;
	_ =	shalt  }
.Lfunc_end2:
_tile_overlayer_lowered:
.L_overlay_start_2:
0x7c: {  	(tag) =	ssettag $0x2  }
0x7d: {  	s0 =	rddreg [dreg:$0x0];
	s2 =	stileid.u32  }
0x7e: {  	s1 =	rddreg [dreg:$0x1];
	p0 =	sne.s32 s2, $0x0  }
0x7f: {  	s3 =	rddreg [dreg:$0x2];
	[bflag:$0x3] =	sbarrier.arrive $0xFFFF;
	s2 =	simm.s32 @!p0 $0x1C03  }
0x80: {  	[timem:s3], [sflag:s2] =	dma.local @!p0 [hbm:s0], s1  }
0x81: {  	s0 =	simm.s32 @!p0 $0x3  }
0x82: {  	_ =	swait.ge @!p0 [sflag:s0], s1  }
0x83: {  	s1 =	ssub.s32 @!p0 $0x0, s1;
	[sflag:s0] =	ssyncset.done @!p0 $0x0  }
0x84: {  	[sflag:s0] =	ssyncadd.s32 @!p0 s1  }
0x85: {  	[bflag:$0x3] =	sbarrier.arrive $0xFFFF  }
0x86: {  	_ =	shalt  }

// kernel: kernel.14.cloned.1.call-start
scs
__scs_entry_jumppad:
0x0: {  	(pc) =	sbr.rel $0x88, $3  }
0x1: {  	(tag) =	ssettag $0x0;
	lr =	simm.s32 $0x1  }
0x2: {  	[smem:$0x3F9B] =	sst lr;
	_ =	strace $0xD0000000  }
0x3: {  	_ = 	snop  }
0x4: {  	_ = 	snop  }
0x5: {  	_ = 	snop  }
0x6: {  	_ = 	snop  }
0x7: {  	_ = 	snop  }
__scs_overlays_trampoline_lowered:
0x8: {  	[smem:$0x3FAA] =	sst s0  }
0x9: {  	[smem:$0x3FAB] =	sst s1  }
0xa: {  	[smem:$0x3FAC] =	sst s2  }
0xb: {  	[smem:$0x3FAD] =	sst s3  }
0xc: {  	[smem:$0x3FAE] =	sst s4  }
0xd: {  	[smem:$0x3FAF] =	sst s5  }
0xe: {  	[smem:$0x3FB0] =	sst s6  }
0xf: {  	[smem:$0x3FB1] =	sst s7  }
0x10: {  	[smem:$0x3FB2] =	sst s8  }
0x11: {  	[smem:$0x3FB3] =	sst s9;
	s0 =	simm.s32 @!p0 $0x0  }
0x12: {  	s1 =	sld [smem:$0x3F99];
	s0 =	simm.s32 @p0 $0x1  }
0x13: {  	[smem:$0x3FB4] =	sst s0;
	s0 =	simm.s32 @!p1 $0x0  }
0x14: {  	s2 =	sld [smem:$0x3F98];
	s0 =	simm.s32 @p1 $0x1  }
0x15: {  	[smem:$0x3FB5] =	sst s0;
	s0 =	simm.s32 @!p2 $0x0  }
0x16: {  	s3 =	sld [smem:$0x3FDB];
	s0 =	simm.s32 @p2 $0x1  }
0x17: {  	s4 =	simm.s32 $0x1BF5;
	[smem:$0x3FB7] =	sst s0  }
0x18: {  	s0 =	sld [smem:$0x3F9A];
	_ =	swait.ge [sflag:s4], $0x0  }
0x19: {  	s7 =	sld [smem:$0x3F9B]  }
0x1a: {  	s8 =	sadd.s32 $0xFFFFE003, lr  }
0x1b: {  	s9 =	sadd.s32 $0xFFFFFEF7, lr;
	s5 =	simm.s32 $0xFFFFFFFF;
	p2 =	slt.u32 s8, $0xFFFFF086  }
0x1c: {  	p1 =	slt.u32 s9, $0xF7A;
	s5 =	simm.s32 @!p2 $0x0  }
0x1d: {  	s5 =	simm.s32 @p1 $0x1;
	p0 =	seq.s32 s7, s2  }
0x1e: {  	s7 =	smul.u32 @!p0 $0xF7A, s2;
	p2 =	seq.s32 @!p0 s5, $0x0  }
0x1f: {  	s9 =	smul.u32 $0xF7A, s1;
	s8 =	simm.s32 @!p0 $0x1BF5;
	p2 =	por !p2, p0  }
0x20: {  	[sflag:s8] =	ssyncset.s32 @!p0 $0xFFFFF086;
	s6 =	sadd.s32 @!p0 s3, s7;
	s7 =	simm.s32 @!p0 $0x108  }
0x21: {  	s3 =	sadd.s32 s3, s9;
	s6 =	sadd.s32 @!p0 $0x88, s6;
	s7 =	simm.s32 @p2 $0x1082  }
0x22: {  	[simem:s7], [sflag:s8] =	dma.local @!p0 [hbm:s6], $0xF7A  }
0x23: {  	s9 =	sor.u32 $0xD0000000, s2;
	s6 =	simm.s32 $0x108;
	_ =	swait.ge @!p0 [sflag:s8], $0x0  }
0x24: {  	s3 =	sadd.s32 $0x88, s3;
	s6 =	simm.s32 @!p1 $0x1082;
	[sflag:s4] =	ssyncset.s32 $0xFFFFF086  }
0x25: {  	[simem:s6], [sflag:s4] =	dma.local [hbm:s3], $0xF7A  }
0x26: {  	[smem:$0x3F9B] =	sst s1;
	(tag) =	ssettag s2;
	_ =	strace s9  }
0x27: {  	s1 =	sld [smem:$0x3FAB]  }
0x28: {  	s2 =	sld [smem:$0x3FAC]  }
0x29: {  	s4 =	sld [smem:$0x3FAE]  }
0x2a: {  	p0 =	seq.s32 s5, $0x0;
	s5 =	sld [smem:$0x3FAF]  }
0x2b: {  	s6 =	sld [smem:$0x3FB0]  }
0x2c: {  	s7 =	sld [smem:$0x3FB1]  }
0x2d: {  	s3 =	simm.s32 $0x108;
	s8 =	sld [smem:$0x3FB2]  }
0x2e: {  	s3 =	simm.s32 @!p0 $0x1082;
	s9 =	sld [smem:$0x3FB3]  }
0x2f: {  	lr =	sadd.s32 s0, s3;
	s0 =	sld [smem:$0x3FAA]  }
0x30: {  	s3 =	sld [smem:$0x3FAD]  }
0x31: {  	[smem:$0x3FB6] =	sst s10  }
0x32: {  	s10 =	sld [smem:$0x3FB4];
	_ =	sdelay $0x3  }
0x33: {  	p0 =	seq.s32 s10, $0x1;
	s10 =	sld [smem:$0x3FB6];
	_ =	sdelay $0x3  }
0x34: {  	[smem:$0x3FB6] =	sst s10  }
0x35: {  	s10 =	sld [smem:$0x3FB5];
	_ =	sdelay $0x3  }
0x36: {  	p1 =	seq.s32 s10, $0x1;
	s10 =	sld [smem:$0x3FB6];
	_ =	sdelay $0x3  }
0x37: {  	[smem:$0x3FB6] =	sst s10  }
0x38: {  	s10 =	sld [smem:$0x3FB7]  }
0x39: {  	_ = 	snop;
	(pc) =	sbr.ind lr, $3  }
0x3a: {  	_ = 	snop  }
0x3b: {  	_ = 	snop  }
0x3c: {  	p2 =	seq.s32 s10, $0x1;
	s10 =	sld [smem:$0x3FB6]  }
0x3d: {  	_ =	shalt  }
0x3e: {  	_ =	shalt  }
0x3f: {  	_ =	shalt  }
0x40: {  	_ =	shalt  }
0x41: {  	_ =	shalt  }
0x42: {  	_ =	shalt  }
0x43: {  	_ =	shalt  }
0x44: {  	_ =	shalt  }
0x45: {  	_ =	shalt  }
0x46: {  	_ =	shalt  }
0x47: {  	_ =	shalt  }
0x48: {  	_ =	shalt  }
0x49: {  	_ =	shalt  }
0x4a: {  	_ =	shalt  }
0x4b: {  	_ =	shalt  }
0x4c: {  	_ =	shalt  }
0x4d: {  	_ =	shalt  }
0x4e: {  	_ =	shalt  }
0x4f: {  	_ =	shalt  }
0x50: {  	_ =	shalt  }
0x51: {  	_ =	shalt  }
0x52: {  	_ =	shalt  }
0x53: {  	_ =	shalt  }
0x54: {  	_ =	shalt  }
0x55: {  	_ =	shalt  }
0x56: {  	_ =	shalt  }
0x57: {  	_ =	shalt  }
0x58: {  	_ =	shalt  }
0x59: {  	_ =	shalt  }
0x5a: {  	_ =	shalt  }
0x5b: {  	_ =	shalt  }
0x5c: {  	_ =	shalt  }
0x5d: {  	_ =	shalt  }
0x5e: {  	_ =	shalt  }
0x5f: {  	_ =	shalt  }
0x60: {  	_ =	shalt  }
0x61: {  	_ =	shalt  }
0x62: {  	_ =	shalt  }
0x63: {  	_ =	shalt  }
0x64: {  	_ =	shalt  }
0x65: {  	_ =	shalt  }
0x66: {  	_ =	shalt  }
0x67: {  	_ =	shalt  }
0x68: {  	_ =	shalt  }
0x69: {  	_ =	shalt  }
0x6a: {  	_ =	shalt  }
0x6b: {  	_ =	shalt  }
0x6c: {  	_ =	shalt  }
0x6d: {  	_ =	shalt  }
0x6e: {  	_ =	shalt  }
0x6f: {  	_ =	shalt  }
0x70: {  	_ =	shalt  }
0x71: {  	_ =	shalt  }
0x72: {  	_ =	shalt  }
0x73: {  	_ =	shalt  }
0x74: {  	_ =	shalt  }
0x75: {  	_ =	shalt  }
0x76: {  	_ =	shalt  }
0x77: {  	_ =	shalt  }
0x78: {  	_ =	shalt  }
0x79: {  	_ =	shalt  }
0x7a: {  	_ =	shalt  }
0x7b: {  	_ =	shalt  }
0x7c: {  	_ =	shalt  }
0x7d: {  	_ =	shalt  }
0x7e: {  	_ =	shalt  }
0x7f: {  	_ =	shalt  }
0x80: {  	_ =	shalt  }
0x81: {  	_ =	shalt  }
0x82: {  	_ =	shalt  }
0x83: {  	_ =	shalt  }
0x84: {  	_ =	shalt  }
0x85: {  	_ =	shalt  }
0x86: {  	_ =	shalt  }
0x87: {  	_ =	shalt  }
.Lfunc_end0:
.L_simem_size_0:
called_computation.2_lowered:
.L_overlay_start_0:
0x88: {  	s2 =	sld [smem:$0x3FD9]  }
0x89: {  	s3 =	sld [smem:$0x3FFE];
	_ =	sdelay $0x1  }
0x8a: {  	s1 =	srdreg.scid  }
0x8b: {  	s0 =	sand.u32 $0x1, s1  }
0x8c: {  	s17 =	sshll.u32 s0, $0xA;
	s2 =	sadd.s32 s3, s2  }
0x8d: {  	s2 =	sadd.s32 s2, s17  }
0x8e: {  	[smem:$0x3FC2] =	sst s2  }
0x8f: {  	_ = 	snop  }
0x90: {  	s2 =	sld [smem:$0x3FD0];
	(tm) =	ssettm $0x1  }
0x91: {  	s18 =	sld [smem:$0x3FFB];
	_ =	sdelay $0x3  }
0x92: {  	_ =	strace s18  }
0x93: {  	s3 =	sld [smem:$0x3FFC];
	_ =	sdelay $0x3  }
0x94: {  	_ =	strace s3  }
0x95: {  	s3 =	sld [smem:$0x3FFD];
	_ =	sdelay $0x3  }
0x96: {  	_ =	strace s3  }
0x97: {  	_ =	strace $0x8FFFFFFF  }
0x98: {  	s19 =	sld [smem:$0x3FDB];
	_ =	sdelay $0x1  }
0x99: {  	s4 =	simm.s32 $_scs_section_size  }
0x9a: {  	s5 =	simm.s32 $_size__tile_overlayer_lowered;
	s6 =	simm.s32 $_tile_overlayer_lowered  }
0x9b: {  	s22 =	simm.s32 $0x1BFF;
	s21 =	sshll.u32 s6, $0x1;
	s3 =	sadd.s32 s4, s19  }
0x9c: {  	s7 =	simm.s32 $0x0;
	s20 =	sshll.u32 s5, $0x1;
	s5 =	sadd.s32 s21, s3  }
0x9d: {  	[timem:s7], [sflag:s22] =	dma.local [hbm:s5], s20  }
0x9e: {  	_ =	swait.ge [sflag:s22], s20  }
0x9f: {  	s4 =	ssub.s32 $0x0, s20;
	[sflag:s22] =	ssyncset.done $0x0  }
0xa0: {  	[sflag:s22] =	ssyncadd.s32 s4;
	_ =	sdelay $0x1  }
0xa1: {  	s23 =	simm.s32 $0x1B8B  }
0xa2: {  	_ =	swait.ge [sflag:s23], $0x1  }
0xa3: {  	[sflag:s23] =	ssyncset.done $0x0  }
0xa4: {  	s25 =	simm.s32 $0x1B8E;
	s24 =	sld [smem:$0x3FFE];
	[sflag:s23] =	ssyncadd.s32 $0xFFFFFFFF  }
0xa5: {  	s26 =	simm.s32 $execute0_lowered;
	[smem:$0x3FD2] =	sst s25  }
0xa6: {  	s5 =	sshll.u32 s26, $0x1;
	_ =	strace $0x8000004C;
	[dreg:$0x1] =	wrdreg $0xFFFFFFFF  }
0xa7: {  	s28 =	simm.s32 $_size_execute0_lowered;
	s3 =	sadd.s32 s3, s5;
	[dreg:$0x0] =	wrdreg $0x0  }
0xa8: {  	s5 =	sshll.u32 s28, $0x1;
	[dreg:$0x2] =	wrdreg s3  }
0xa9: {  	[dreg:$0x3] =	wrdreg s5  }
0xaa: {  	[dreg:$0x4] =	wrdreg $0xC0  }
0xab: {  	_ =	task [dreg:s7], $0x5FFFF  }
0xac: {  	[dreg:$0x1] =	wrdreg $0xFFFFFFFF  }
0xad: {  	[dreg:$0x0] =	wrdreg $0x60  }
0xae: {  	[dreg:$0x2] =	wrdreg s24  }
0xaf: {  	[dreg:$0x3] =	wrdreg s2  }
0xb0: {  	[dreg:$0x4] =	wrdreg $0x0  }
0xb1: {  	[dreg:$0x5] =	wrdreg $0x9  }
0xb2: {  	_ =	task.clear_ibuf [dreg:s7], $0x6FFFF;
	_ =	strace $0x9000004C  }
0xb3: {  	s29 =	simm.s32 $0x9;
	_ =	strace $0x8000004E  }
0xb4: {  	_ =	swait.ge [sflag:s29], $0x1  }
0xb5: {  	[sflag:s29] =	ssyncadd.s32 $0xFFFFFFFF  }
0xb6: {  	_ =	strace $0x9000004E  }
0xb7: {  	_ =	sfence  }
0xb8: {  	s30 =	sld [smem:$0x0];
	_ =	sdelay $0x2  }
0xb9: {  	s31 =	sshll.u32 s1, $0xD;
	s1 =	sshrl.u32 s1, $0x2  }
0xba: {  	s3 =	sand.u32 $0x4000, s31;
	s1 =	sadd.s32 s1, s30  }
0xbb: {  	s0 =	sor.u32 s3, s0;
	s1 =	sshll.u32 s1, $0x11  }
0xbc: {  	s0 =	sor.u32 s1, s0  }
0xbd: {  	s0 =	sadd.s32 $0x8F2B, s0  }
0xbe: {  	[sflag:s0] =	ssyncadd.remote.s32 $0x1  }
0xbf: {  	_ =	sfence.sel $0xFFFF  }
0xc0: {  	[dreg:$0x0] =	wrdreg $0xFFFFFFFF;
	(pc) =	sbr.abs _section_cstart, $3  }
0xc1: {  	[dreg:$0x1] =	wrdreg $0xFFFFFFFF  }
0xc2: {  	_ =	task.clear_ibuf [dreg:s7], $0x2FFFF;
	_ =	strace $0x9FFFFFFF  }
0xc3: {  	(tm) =	ssettm $0x7FFFFFFF  }
tec
execute0_lowered:
.L_overlay_start_1:
0x0: {  	(tag) =	ssettag $0x1  }
0x1: {  	s6 =	rddreg [dreg:$0x0]  }
0x2: {  	s2 =	rddreg [dreg:$0x1]  }
0x3: {  	s0 =	srdreg.scid;
	s3 =	rddreg [dreg:$0x2];
	s4 =	simm.s32 $0x0  }
0x4: {  	s14 =	simm.s32 $0x16C00;
	s15 =	simm.s32 $0x80;
	s16 =	simm.s32 $0x16D00  }
0x5: {  	s18 =	simm.s32 $0x1AD00;
	s5 =	sand.u32 $0x1, s0;
	s0 =	stileid.u32  }
0x6: {  	s19 =	simm.s32 $0x16C80;
	s20 =	simm.s32 $0x1;
	s8 =	smul.u32 $0x2800, s0  }
0x7: {  	s21 =	simm.s32 $0x2;
	s22 =	simm.s32 $0x0;
	s9 =	smul.u32 $0x28000, s5  }
0x8: {  	[smem:$0x7FF] =	sst s4;
	s1 =	sshll.u32 s5, $0x4;
	s29 =	smul.u32 $0x50000, s0  }
0x9: {  	s5 =	ssub.s32 $0x2, s5;
	s31 =	sshll.u32 s0, $0x6;
	s1 =	sor.u32 s0, s1  }
0xa: {  	s30 =	sshrl.u32 s5, $0x1;
	s7 =	smul.u32 $0x580, s1;
	s1 =	rddreg [dreg:$0x3]  }
0xb: {  	_ =	strace $0x8000004D;
	s11 =	sadd.s32 s8, s6;
	s8 =	sadd.s32 s8, s9  }
0xc: {  	s12 =	ssub.s32 s5, s30;
	s9 =	sadd.s32 s8, s6;
	s5 =	sadd.s32 $0xD800, s11  }
0xd: {  	s10 =	sadd.s32 s7, s6;
	s7 =	sshrl.u32 s29, $0x2;
	s6 =	sor.u32 $0x1C03, s31  }
0xe: {  	s9 =	sadd.s32 $0x35800, s9;
	s13 =	sadd.s32 s7, s3;
	s7 =	sadd.s32 $0x85800, s10  }
0xf: {  	s8 =	sadd.s32 $0x2800, s10;
	s10 =	smax.u32 s12, $0x1;
	s12 =	simm.s32 $0x3  }
0x10: {  	s11 =	sshrl.u32 s13, $0x3;
	s13 =	simm.s32 $0x14000;
	s17 =	sadd.s32 $0x20, s8  }
.LBB2_1:
0x11: {  	[spmem:s11], [sflag:s6] =	dma.local [hbm:s5], $0x2800  }
0x12: {  	_ =	swait.ge [sflag:s12], $0x2800  }
0x13: {  	[sflag:s12] =	ssyncset.done $0x0  }
0x14: {  	[sflag:s12] =	ssyncadd.s32 $0xFFFFD800  }
0x15: {  	[tilespmem:s13], [sflag:$0x3] =	stream.linear.gather [hbm4b:s7+s4], $0x2880, $0x38;
	[tilespmem:$0x1ED00] =	vst v63  }
0x16: {  	_ =	swait.ge [sflag:s12], $0x2880  }
0x17: {  	[sflag:s12] =	ssyncset.done $0x0  }
0x18: {  	[sflag:s12] =	ssyncadd.s32 $0xFFFFD780  }
0x19: {  	[bflag:$0x0] =	sbarrier.arrive $0xFFFF  }
0x1a: {  	[tilespmem:s14], [sflag:$0x3] =	stream.linear.gather [hbm4b:s8+s4], $0x80, $0x38;
	[tilespmem:$0x1ED00] =	vst v63  }
0x1b: {  	_ =	swait.ge [sflag:s12], $0x80  }
0x1c: {  	[sflag:s12] =	ssyncset.done $0x0  }
0x1d: {  	s23 =	sand.u32 $0x780, s4;
	s24 =	simm.s32 $0x10;
	[sflag:s12] =	ssyncadd.s32 $0xFFFFFF80  }
0x1e: {  	[tilespmem:s16], [sflag:$0x1] =	stream.indirect.gather [hbm4b:s2+s15], $0x80, s13, s15, $0xb8;
	[tilespmem:$0x1ED00] =	vst v63  }
0x1f: {  	s25 =	simm.s32 $0x14080;
	s24 =	sand.u32 $0x70, s24;
	s23 =	sadd.s32 s8, s23  }
0x20: {  	[tilespmem:s18], [sflag:$0x2] =	stream.indirect.gather [hbm4b:s2+s15], $0x80, s25, s15, $0xb8;
	[tilespmem:$0x1ED00] =	vst v63  }
0x21: {  	s23 =	sadd.s32 s24, s23  }
0x22: {  	[tilespmem:s19], [sflag:$0x3] =	stream.linear.gather [hbm4b:s23+s4], $0x80, $0x38;
	[tilespmem:$0x1ED00] =	vst v63  }
0x23: {  	_ =	swait.ge [sflag:s12], $0x80  }
0x24: {  	[sflag:s12] =	ssyncset.done $0x0  }
0x25: {  	[sflag:s12] =	ssyncadd.s32 $0xFFFFFF80  }
0x26: {  	_ =	swait.ge [sflag:s20], $0x4000  }
0x27: {  	[sflag:s20] =	ssyncset.done $0x0  }
0x28: {  	[sflag:s20] =	ssyncadd.s32 $0xFFFFC000  }
0x29: {  	[spmem:s3] =	stream.indirect.scatter.add.f32 [tilespmem:s16], [sflag:$0x3], $0x80, s14, s15, $0xb8;
	[tilespmem:$0x1ED00] =	vst v63  }
0x2a: {  	_ =	swait.ge [sflag:s12], $0x4000  }
0x2b: {  	[sflag:s12] =	ssyncset.done $0x0  }
0x2c: {  	s30 =	simm.s32 $0x14100;
	[sflag:s12] =	ssyncadd.s32 $0xFFFFC000  }
0x2d: {  	[tilespmem:s16], [sflag:$0x1] =	stream.indirect.gather [hbm4b:s2+s15], $0x80, s30, s15, $0xb8;
	[tilespmem:$0x1ED00] =	vst v63  }
0x2e: {  	s31 =	sadd.s32 $0x0, s17  }
0x2f: {  	[tilespmem:s14], [sflag:$0x3] =	stream.linear.gather [hbm4b:s31+s4], $0x80, $0x38;
	[tilespmem:$0x1ED00] =	vst v63  }
0x30: {  	_ =	swait.ge [sflag:s12], $0x80  }
0x31: {  	[sflag:s12] =	ssyncset.done $0x0  }
0x32: {  	[sflag:s12] =	ssyncadd.s32 $0xFFFFFF80  }
0x33: {  	_ =	swait.ge [sflag:s21], $0x4000  }
0x34: {  	s24 =	simm.s32 $0x14180;
	[sflag:s21] =	ssyncset.done $0x0  }
0x35: {  	s25 =	simm.s32 $0x40;
	s23 =	simm.s32 $0x20;
	[sflag:s21] =	ssyncadd.s32 $0xFFFFC000  }
0x36: {  	[spmem:s3] =	stream.indirect.scatter.add.f32 [tilespmem:s18], [sflag:$0x3], $0x80, s19, s15, $0xb8;
	[tilespmem:$0x1ED00] =	vst v63  }
.LBB2_2:
0x37: {  	s26 =	sand.u32 $0x780, s23  }
0x38: {  	s28 =	sadd.s32 $0x10, s23;
	_ =	swait.ge [sflag:s12], $0x4000;
	s29 =	smov.u32 s25  }
0x39: {  	s28 =	sand.u32 $0x70, s28;
	s26 =	sadd.s32 s8, s26;
	[sflag:s12] =	ssyncset.done $0x0  }
0x3a: {  	s30 =	sadd.s32 $0x20, s25;
	s26 =	sadd.s32 s28, s26;
	[sflag:s12] =	ssyncadd.s32 $0xFFFFC000  }
0x3b: {  	[tilespmem:s18], [sflag:$0x2] =	stream.indirect.gather [hbm4b:s2+s15], $0x80, s24, s15, $0xb8;
	[tilespmem:$0x1ED00] =	vst v63  }
0x3c: {  	p0 =	sne.s32 s25, $0x4E0  }
0x3d: {  	[tilespmem:s19], [sflag:$0x3] =	stream.linear.gather [hbm4b:s26+s4], $0x80, $0x38;
	[tilespmem:$0x1ED00] =	vst v63  }
0x3e: {  	_ =	swait.ge [sflag:s12], $0x80  }
0x3f: {  	[sflag:s12] =	ssyncset.done $0x0  }
0x40: {  	[sflag:s12] =	ssyncadd.s32 $0xFFFFFF80  }
0x41: {  	_ =	swait.ge [sflag:s20], $0x4000  }
0x42: {  	[sflag:s20] =	ssyncset.done $0x0  }
0x43: {  	[sflag:s20] =	ssyncadd.s32 $0xFFFFC000  }
0x44: {  	[spmem:s3] =	stream.indirect.scatter.add.f32 [tilespmem:s16], [sflag:$0x3], $0x80, s14, s15, $0xb8;
	[tilespmem:$0x1ED00] =	vst v63  }
0x45: {  	s25 =	sadd.s32 $0x80, s24;
	_ =	swait.ge [sflag:s12], $0x4000  }
0x46: {  	[sflag:s12] =	ssyncset.done $0x0  }
0x47: {  	s26 =	sadd.s32 s23, s17;
	s23 =	smov.u32 s29;
	[sflag:s12] =	ssyncadd.s32 $0xFFFFC000  }
0x48: {  	[tilespmem:s16], [sflag:$0x1] =	stream.indirect.gather [hbm4b:s2+s15], $0x80, s25, s15, $0xb8;
	[tilespmem:$0x1ED00] =	vst v63  }
0x49: {  	_ = 	snop  }
0x4a: {  	[tilespmem:s14], [sflag:$0x3] =	stream.linear.gather [hbm4b:s26+s4], $0x80, $0x38;
	[tilespmem:$0x1ED00] =	vst v63  }
0x4b: {  	_ =	swait.ge [sflag:s12], $0x80  }
0x4c: {  	[sflag:s12] =	ssyncset.done $0x0  }
.Ltmp0:
0x4d: {  	[sflag:s12] =	ssyncadd.s32 $0xFFFFFF80;
	(pc) =	sbr.rel @p0 .LBB2_2-.Ltmp0, $4  }
0x4e: {  	_ =	swait.ge [sflag:s21], $0x4000  }
0x4f: {  	[sflag:s21] =	ssyncset.done $0x0  }
0x50: {  	s24 =	sadd.s32 $0x100, s24;
	s25 =	smov.u32 s30;
	[sflag:s21] =	ssyncadd.s32 $0xFFFFC000  }
0x51: {  	[spmem:s3] =	stream.indirect.scatter.add.f32 [tilespmem:s18], [sflag:$0x3], $0x80, s19, s15, $0xb8;
	[tilespmem:$0x1ED00] =	vst v63  }
0x52: {  	_ =	swait.ge [sflag:s12], $0x4000  }
0x53: {  	s25 =	sand.u32 $0x780, s23;
	s26 =	sadd.s32 $0x10, s23;
	[sflag:s12] =	ssyncset.done $0x0  }
0x54: {  	s26 =	sand.u32 $0x70, s26;
	s25 =	sadd.s32 s8, s25;
	[sflag:s12] =	ssyncadd.s32 $0xFFFFC000  }
0x55: {  	[tilespmem:s18], [sflag:$0x2] =	stream.indirect.gather [hbm4b:s2+s15], $0x80, s24, s15, $0xb8;
	[tilespmem:$0x1ED00] =	vst v63  }
0x56: {  	s25 =	sadd.s32 s26, s25  }
0x57: {  	[tilespmem:s19], [sflag:$0x3] =	stream.linear.gather [hbm4b:s25+s4], $0x80, $0x38;
	[tilespmem:$0x1ED00] =	vst v63  }
0x58: {  	_ =	swait.ge [sflag:s12], $0x80  }
0x59: {  	[sflag:s12] =	ssyncset.done $0x0  }
0x5a: {  	[sflag:s12] =	ssyncadd.s32 $0xFFFFFF80  }
0x5b: {  	_ =	swait.ge [sflag:s20], $0x4000  }
0x5c: {  	[sflag:s20] =	ssyncset.done $0x0  }
0x5d: {  	[sflag:s20] =	ssyncadd.s32 $0xFFFFC000  }
0x5e: {  	[spmem:s3] =	stream.indirect.scatter.add.f32 [tilespmem:s16], [sflag:$0x3], $0x80, s14, s15, $0xb8;
	[tilespmem:$0x1ED00] =	vst v63  }
0x5f: {  	_ =	swait.ge [sflag:s12], $0x4000  }
0x60: {  	[sflag:s12] =	ssyncset.done $0x0  }
0x61: {  	s30 =	sadd.s32 $0x80, s24;
	[sflag:s12] =	ssyncadd.s32 $0xFFFFC000  }
0x62: {  	[tilespmem:s16], [sflag:$0x1] =	stream.indirect.gather [hbm4b:s2+s15], $0x80, s30, s15, $0xb8;
	[tilespmem:$0x1ED00] =	vst v63  }
0x63: {  	s31 =	sadd.s32 s23, s17  }
0x64: {  	[tilespmem:s14], [sflag:$0x3] =	stream.linear.gather [hbm4b:s31+s4], $0x80, $0x38;
	[tilespmem:$0x1ED00] =	vst v63  }
0x65: {  	_ =	swait.ge [sflag:s12], $0x80  }
0x66: {  	[sflag:s12] =	ssyncset.done $0x0  }
0x67: {  	[sflag:s12] =	ssyncadd.s32 $0xFFFFFF80  }
0x68: {  	_ =	swait.ge [sflag:s21], $0x4000  }
0x69: {  	[sflag:s21] =	ssyncset.done $0x0  }
0x6a: {  	[sflag:s21] =	ssyncadd.s32 $0xFFFFC000  }
0x6b: {  	[spmem:s3] =	stream.indirect.scatter.add.f32 [tilespmem:s18], [sflag:$0x3], $0x80, s19, s15, $0xb8;
	[tilespmem:$0x1ED00] =	vst v63  }
0x6c: {  	_ =	swait.ge [sflag:s12], $0x4000  }
0x6d: {  	[sflag:s12] =	ssyncset.done $0x0  }
0x6e: {  	[sflag:s12] =	ssyncadd.s32 $0xFFFFC000  }
0x6f: {  	_ =	swait.ge [sflag:s20], $0x4000  }
0x70: {  	s22 =	sadd.s32 $0x1, s22;
	[sflag:s20] =	ssyncset.done $0x0  }
0x71: {  	p0 =	sne.s32 s22, s10;
	[sflag:s20] =	ssyncadd.s32 $0xFFFFC000  }
.Ltmp1:
0x72: {  	[bflag:$0x0] =	sbarrier.arrive $0xFFFF;
	(pc) =	sbr.rel @p0 .LBB2_1-.Ltmp1, $4  }
0x73: {  	[hbm:s9], [sflag:s6] =	dma.local [spmem:s11], $0x2800  }
0x74: {  	_ =	swait.ge [sflag:s12], $0x2800  }
0x75: {  	[sflag:s12] =	ssyncset.done $0x0  }
0x76: {  	[sflag:s12] =	ssyncadd.s32 $0xFFFFD800  }
0x77: {  	_ =	sfence.sel $0x180000  }
0x78: {  	[bflag:$0x0] =	sbarrier.arrive $0xFFFF  }
0x79: {  	p0 =	sne.s32 s0, $0x0;
	_ =	strace $0x9000004D  }
0x7a: {  	s0 =	sadd.s32 @!p0 $0x100000, s1;
	[bflag:$0x2] =	sbarrier.arrive $0xFFFF  }
0x7b: {  	[sflag:s0] =	ssyncadd.tile.s32 @!p0 $0x1;
	_ =	shalt  }
.Lfunc_end2:
_tile_overlayer_lowered:
.L_overlay_start_2:
0x7c: {  	(tag) =	ssettag $0x2  }
0x7d: {  	s0 =	rddreg [dreg:$0x0];
	s2 =	stileid.u32  }
0x7e: {  	s1 =	rddreg [dreg:$0x1];
	p0 =	sne.s32 s2, $0x0  }
0x7f: {  	s3 =	rddreg [dreg:$0x2];
	[bflag:$0x3] =	sbarrier.arrive $0xFFFF;
	s2 =	simm.s32 @!p0 $0x1C03  }
0x80: {  	[timem:s3], [sflag:s2] =	dma.local @!p0 [hbm:s0], s1  }
0x81: {  	s0 =	simm.s32 @!p0 $0x3  }
0x82: {  	_ =	swait.ge @!p0 [sflag:s0], s1  }
0x83: {  	s1 =	ssub.s32 @!p0 $0x0, s1;
	[sflag:s0] =	ssyncset.done @!p0 $0x0  }
0x84: {  	[sflag:s0] =	ssyncadd.s32 @!p0 s1  }
0x85: {  	[bflag:$0x3] =	sbarrier.arrive $0xFFFF  }
0x86: {  	_ =	shalt  }

// kernel: kernel.8.cloned.1.call-start
scs
__scs_entry_jumppad:
0x0: {  	(pc) =	sbr.rel $0x88, $3  }
0x1: {  	(tag) =	ssettag $0x0;
	lr =	simm.s32 $0x1  }
0x2: {  	[smem:$0x3F9B] =	sst lr;
	_ =	strace $0xD0000000  }
0x3: {  	_ = 	snop  }
0x4: {  	_ = 	snop  }
0x5: {  	_ = 	snop  }
0x6: {  	_ = 	snop  }
0x7: {  	_ = 	snop  }
__scs_overlays_trampoline_lowered:
0x8: {  	[smem:$0x3FAA] =	sst s0  }
0x9: {  	[smem:$0x3FAB] =	sst s1  }
0xa: {  	[smem:$0x3FAC] =	sst s2  }
0xb: {  	[smem:$0x3FAD] =	sst s3  }
0xc: {  	[smem:$0x3FAE] =	sst s4  }
0xd: {  	[smem:$0x3FAF] =	sst s5  }
0xe: {  	[smem:$0x3FB0] =	sst s6  }
0xf: {  	[smem:$0x3FB1] =	sst s7  }
0x10: {  	[smem:$0x3FB2] =	sst s8  }
0x11: {  	[smem:$0x3FB3] =	sst s9;
	s0 =	simm.s32 @!p0 $0x0  }
0x12: {  	s1 =	sld [smem:$0x3F99];
	s0 =	simm.s32 @p0 $0x1  }
0x13: {  	[smem:$0x3FB4] =	sst s0;
	s0 =	simm.s32 @!p1 $0x0  }
0x14: {  	s2 =	sld [smem:$0x3F98];
	s0 =	simm.s32 @p1 $0x1  }
0x15: {  	[smem:$0x3FB5] =	sst s0;
	s0 =	simm.s32 @!p2 $0x0  }
0x16: {  	s3 =	sld [smem:$0x3FDB];
	s0 =	simm.s32 @p2 $0x1  }
0x17: {  	s4 =	simm.s32 $0x1BF5;
	[smem:$0x3FB7] =	sst s0  }
0x18: {  	s0 =	sld [smem:$0x3F9A];
	_ =	swait.ge [sflag:s4], $0x0  }
0x19: {  	s7 =	sld [smem:$0x3F9B]  }
0x1a: {  	s8 =	sadd.s32 $0xFFFFE003, lr  }
0x1b: {  	s9 =	sadd.s32 $0xFFFFFEF7, lr;
	s5 =	simm.s32 $0xFFFFFFFF;
	p2 =	slt.u32 s8, $0xFFFFF086  }
0x1c: {  	p1 =	slt.u32 s9, $0xF7A;
	s5 =	simm.s32 @!p2 $0x0  }
0x1d: {  	s5 =	simm.s32 @p1 $0x1;
	p0 =	seq.s32 s7, s2  }
0x1e: {  	s7 =	smul.u32 @!p0 $0xF7A, s2;
	p2 =	seq.s32 @!p0 s5, $0x0  }
0x1f: {  	s9 =	smul.u32 $0xF7A, s1;
	s8 =	simm.s32 @!p0 $0x1BF5;
	p2 =	por !p2, p0  }
0x20: {  	[sflag:s8] =	ssyncset.s32 @!p0 $0xFFFFF086;
	s6 =	sadd.s32 @!p0 s3, s7;
	s7 =	simm.s32 @!p0 $0x108  }
0x21: {  	s3 =	sadd.s32 s3, s9;
	s6 =	sadd.s32 @!p0 $0x88, s6;
	s7 =	simm.s32 @p2 $0x1082  }
0x22: {  	[simem:s7], [sflag:s8] =	dma.local @!p0 [hbm:s6], $0xF7A  }
0x23: {  	s9 =	sor.u32 $0xD0000000, s2;
	s6 =	simm.s32 $0x108;
	_ =	swait.ge @!p0 [sflag:s8], $0x0  }
0x24: {  	s3 =	sadd.s32 $0x88, s3;
	s6 =	simm.s32 @!p1 $0x1082;
	[sflag:s4] =	ssyncset.s32 $0xFFFFF086  }
0x25: {  	[simem:s6], [sflag:s4] =	dma.local [hbm:s3], $0xF7A  }
0x26: {  	[smem:$0x3F9B] =	sst s1;
	(tag) =	ssettag s2;
	_ =	strace s9  }
0x27: {  	s1 =	sld [smem:$0x3FAB]  }
0x28: {  	s2 =	sld [smem:$0x3FAC]  }
0x29: {  	s4 =	sld [smem:$0x3FAE]  }
0x2a: {  	p0 =	seq.s32 s5, $0x0;
	s5 =	sld [smem:$0x3FAF]  }
0x2b: {  	s6 =	sld [smem:$0x3FB0]  }
0x2c: {  	s7 =	sld [smem:$0x3FB1]  }
0x2d: {  	s3 =	simm.s32 $0x108;
	s8 =	sld [smem:$0x3FB2]  }
0x2e: {  	s3 =	simm.s32 @!p0 $0x1082;
	s9 =	sld [smem:$0x3FB3]  }
0x2f: {  	lr =	sadd.s32 s0, s3;
	s0 =	sld [smem:$0x3FAA]  }
0x30: {  	s3 =	sld [smem:$0x3FAD]  }
0x31: {  	[smem:$0x3FB6] =	sst s10  }
0x32: {  	s10 =	sld [smem:$0x3FB4];
	_ =	sdelay $0x3  }
0x33: {  	p0 =	seq.s32 s10, $0x1;
	s10 =	sld [smem:$0x3FB6];
	_ =	sdelay $0x3  }
0x34: {  	[smem:$0x3FB6] =	sst s10  }
0x35: {  	s10 =	sld [smem:$0x3FB5];
	_ =	sdelay $0x3  }
0x36: {  	p1 =	seq.s32 s10, $0x1;
	s10 =	sld [smem:$0x3FB6];
	_ =	sdelay $0x3  }
0x37: {  	[smem:$0x3FB6] =	sst s10  }
0x38: {  	s10 =	sld [smem:$0x3FB7]  }
0x39: {  	_ = 	snop;
	(pc) =	sbr.ind lr, $3  }
0x3a: {  	_ = 	snop  }
0x3b: {  	_ = 	snop  }
0x3c: {  	p2 =	seq.s32 s10, $0x1;
	s10 =	sld [smem:$0x3FB6]  }
0x3d: {  	_ =	shalt  }
0x3e: {  	_ =	shalt  }
0x3f: {  	_ =	shalt  }
0x40: {  	_ =	shalt  }
0x41: {  	_ =	shalt  }
0x42: {  	_ =	shalt  }
0x43: {  	_ =	shalt  }
0x44: {  	_ =	shalt  }
0x45: {  	_ =	shalt  }
0x46: {  	_ =	shalt  }
0x47: {  	_ =	shalt  }
0x48: {  	_ =	shalt  }
0x49: {  	_ =	shalt  }
0x4a: {  	_ =	shalt  }
0x4b: {  	_ =	shalt  }
0x4c: {  	_ =	shalt  }
0x4d: {  	_ =	shalt  }
0x4e: {  	_ =	shalt  }
0x4f: {  	_ =	shalt  }
0x50: {  	_ =	shalt  }
0x51: {  	_ =	shalt  }
0x52: {  	_ =	shalt  }
0x53: {  	_ =	shalt  }
0x54: {  	_ =	shalt  }
0x55: {  	_ =	shalt  }
0x56: {  	_ =	shalt  }
0x57: {  	_ =	shalt  }
0x58: {  	_ =	shalt  }
0x59: {  	_ =	shalt  }
0x5a: {  	_ =	shalt  }
0x5b: {  	_ =	shalt  }
0x5c: {  	_ =	shalt  }
0x5d: {  	_ =	shalt  }
0x5e: {  	_ =	shalt  }
0x5f: {  	_ =	shalt  }
0x60: {  	_ =	shalt  }
0x61: {  	_ =	shalt  }
0x62: {  	_ =	shalt  }
0x63: {  	_ =	shalt  }
0x64: {  	_ =	shalt  }
0x65: {  	_ =	shalt  }
0x66: {  	_ =	shalt  }
0x67: {  	_ =	shalt  }
0x68: {  	_ =	shalt  }
0x69: {  	_ =	shalt  }
0x6a: {  	_ =	shalt  }
0x6b: {  	_ =	shalt  }
0x6c: {  	_ =	shalt  }
0x6d: {  	_ =	shalt  }
0x6e: {  	_ =	shalt  }
0x6f: {  	_ =	shalt  }
0x70: {  	_ =	shalt  }
0x71: {  	_ =	shalt  }
0x72: {  	_ =	shalt  }
0x73: {  	_ =	shalt  }
0x74: {  	_ =	shalt  }
0x75: {  	_ =	shalt  }
0x76: {  	_ =	shalt  }
0x77: {  	_ =	shalt  }
0x78: {  	_ =	shalt  }
0x79: {  	_ =	shalt  }
0x7a: {  	_ =	shalt  }
0x7b: {  	_ =	shalt  }
0x7c: {  	_ =	shalt  }
0x7d: {  	_ =	shalt  }
0x7e: {  	_ =	shalt  }
0x7f: {  	_ =	shalt  }
0x80: {  	_ =	shalt  }
0x81: {  	_ =	shalt  }
0x82: {  	_ =	shalt  }
0x83: {  	_ =	shalt  }
0x84: {  	_ =	shalt  }
0x85: {  	_ =	shalt  }
0x86: {  	_ =	shalt  }
0x87: {  	_ =	shalt  }
.Lfunc_end0:
.L_simem_size_0:
called_computation_lowered:
.L_overlay_start_0:
0x88: {  	s2 =	sld [smem:$0x3FD9]  }
0x89: {  	s3 =	sld [smem:$0x3FFE];
	_ =	sdelay $0x1  }
0x8a: {  	s1 =	srdreg.scid  }
0x8b: {  	s0 =	sand.u32 $0x1, s1  }
0x8c: {  	s17 =	sshll.u32 s0, $0xA;
	s2 =	sadd.s32 s3, s2  }
0x8d: {  	s2 =	sadd.s32 s2, s17  }
0x8e: {  	[smem:$0x3FC2] =	sst s2  }
0x8f: {  	_ = 	snop  }
0x90: {  	s2 =	sld [smem:$0x3FD0];
	(tm) =	ssettm $0x1  }
0x91: {  	s18 =	sld [smem:$0x3FFB];
	_ =	sdelay $0x3  }
0x92: {  	_ =	strace s18  }
0x93: {  	s3 =	sld [smem:$0x3FFC];
	_ =	sdelay $0x3  }
0x94: {  	_ =	strace s3  }
0x95: {  	s3 =	sld [smem:$0x3FFD];
	_ =	sdelay $0x3  }
0x96: {  	_ =	strace s3  }
0x97: {  	_ =	strace $0x8FFFFFFF  }
0x98: {  	s19 =	sld [smem:$0x3FDB];
	_ =	sdelay $0x1  }
0x99: {  	s4 =	simm.s32 $_scs_section_size  }
0x9a: {  	s5 =	simm.s32 $_size__tile_overlayer_lowered;
	s6 =	simm.s32 $_tile_overlayer_lowered  }
0x9b: {  	s22 =	simm.s32 $0x1BFF;
	s21 =	sshll.u32 s6, $0x1;
	s3 =	sadd.s32 s4, s19  }
0x9c: {  	s7 =	simm.s32 $0x0;
	s20 =	sshll.u32 s5, $0x1;
	s5 =	sadd.s32 s21, s3  }
0x9d: {  	[timem:s7], [sflag:s22] =	dma.local [hbm:s5], s20  }
0x9e: {  	_ =	swait.ge [sflag:s22], s20  }
0x9f: {  	s4 =	ssub.s32 $0x0, s20;
	[sflag:s22] =	ssyncset.done $0x0  }
0xa0: {  	[sflag:s22] =	ssyncadd.s32 s4;
	_ =	sdelay $0x1  }
0xa1: {  	s23 =	simm.s32 $0x1B8B  }
0xa2: {  	_ =	swait.ge [sflag:s23], $0x1  }
0xa3: {  	[sflag:s23] =	ssyncset.done $0x0  }
0xa4: {  	s25 =	simm.s32 $0x1B8E;
	s24 =	sld [smem:$0x3FFE];
	[sflag:s23] =	ssyncadd.s32 $0xFFFFFFFF  }
0xa5: {  	s26 =	simm.s32 $execute0_lowered;
	[smem:$0x3FD2] =	sst s25  }
0xa6: {  	s5 =	sshll.u32 s26, $0x1;
	_ =	strace $0x80000046;
	[dreg:$0x1] =	wrdreg $0xFFFFFFFF  }
0xa7: {  	s28 =	simm.s32 $_size_execute0_lowered;
	s3 =	sadd.s32 s3, s5;
	[dreg:$0x0] =	wrdreg $0x0  }
0xa8: {  	s5 =	sshll.u32 s28, $0x1;
	[dreg:$0x2] =	wrdreg s3  }
0xa9: {  	[dreg:$0x3] =	wrdreg s5  }
0xaa: {  	[dreg:$0x4] =	wrdreg $0xC0  }
0xab: {  	_ =	task [dreg:s7], $0x5FFFF  }
0xac: {  	[dreg:$0x1] =	wrdreg $0xFFFFFFFF  }
0xad: {  	[dreg:$0x0] =	wrdreg $0x60  }
0xae: {  	[dreg:$0x2] =	wrdreg s24  }
0xaf: {  	[dreg:$0x3] =	wrdreg s2  }
0xb0: {  	[dreg:$0x4] =	wrdreg $0x0  }
0xb1: {  	[dreg:$0x5] =	wrdreg $0x9  }
0xb2: {  	_ =	task.clear_ibuf [dreg:s7], $0x6FFFF;
	_ =	strace $0x90000046  }
0xb3: {  	s29 =	simm.s32 $0x9;
	_ =	strace $0x80000048  }
0xb4: {  	_ =	swait.ge [sflag:s29], $0x1  }
0xb5: {  	[sflag:s29] =	ssyncadd.s32 $0xFFFFFFFF  }
0xb6: {  	_ =	strace $0x90000048  }
0xb7: {  	_ =	sfence  }
0xb8: {  	s30 =	sld [smem:$0x0];
	_ =	sdelay $0x2  }
0xb9: {  	s31 =	sshll.u32 s1, $0xD;
	s1 =	sshrl.u32 s1, $0x2  }
0xba: {  	s3 =	sand.u32 $0x4000, s31;
	s1 =	sadd.s32 s1, s30  }
0xbb: {  	s0 =	sor.u32 s3, s0;
	s1 =	sshll.u32 s1, $0x11  }
0xbc: {  	s0 =	sor.u32 s1, s0  }
0xbd: {  	s0 =	sadd.s32 $0x8F2B, s0  }
0xbe: {  	[sflag:s0] =	ssyncadd.remote.s32 $0x1  }
0xbf: {  	_ =	sfence.sel $0xFFFF  }
0xc0: {  	[dreg:$0x0] =	wrdreg $0xFFFFFFFF;
	(pc) =	sbr.abs _section_cstart, $3  }
0xc1: {  	[dreg:$0x1] =	wrdreg $0xFFFFFFFF  }
0xc2: {  	_ =	task.clear_ibuf [dreg:s7], $0x2FFFF;
	_ =	strace $0x9FFFFFFF  }
0xc3: {  	(tm) =	ssettm $0x7FFFFFFF  }
tec
execute0_lowered:
.L_overlay_start_1:
0x0: {  	(tag) =	ssettag $0x1  }
0x1: {  	s6 =	rddreg [dreg:$0x0]  }
0x2: {  	s2 =	rddreg [dreg:$0x1]  }
0x3: {  	s0 =	srdreg.scid;
	s3 =	rddreg [dreg:$0x2]  }
0x4: {  	s4 =	simm.s32 $0x0;
	s12 =	simm.s32 $0x14100;
	s13 =	simm.s32 $0x14000  }
0x5: {  	s14 =	simm.s32 $0x80;
	s15 =	simm.s32 $0x14080;
	s16 =	simm.s32 $0x1  }
0x6: {  	s17 =	simm.s32 $0x2;
	s5 =	sand.u32 $0x1, s0;
	s0 =	stileid.u32  }
0x7: {  	s18 =	simm.s32 $0x0;
	[smem:$0x7FF] =	sst s4;
	s8 =	smul.u32 $0x2800, s0  }
0x8: {  	s1 =	sshll.u32 s5, $0x4;
	s9 =	smul.u32 $0x28000, s5;
	s5 =	ssub.s32 $0x2, s5  }
0x9: {  	s10 =	smul.u32 $0x50000, s0;
	s31 =	sshll.u32 s0, $0x6;
	s1 =	sor.u32 s0, s1  }
0xa: {  	s29 =	sshrl.u32 s5, $0x1;
	s7 =	smul.u32 $0x580, s1;
	s1 =	rddreg [dreg:$0x3]  }
0xb: {  	_ =	strace $0x80000047;
	s9 =	sadd.s32 s8, s9;
	s8 =	sadd.s32 s8, s6  }
0xc: {  	s11 =	ssub.s32 s5, s29;
	s30 =	sshrl.u32 s10, $0x2;
	s9 =	sadd.s32 s9, s6  }
0xd: {  	s10 =	sadd.s32 s30, s3;
	s5 =	sadd.s32 $0xD800, s8;
	s7 =	sadd.s32 s7, s6  }
0xe: {  	s6 =	sor.u32 $0x1C03, s31;
	s8 =	sadd.s32 $0x35800, s9;
	s9 =	smax.u32 s11, $0x1  }
0xf: {  	s10 =	sshrl.u32 s10, $0x3;
	s11 =	simm.s32 $0x3;
	s7 =	sadd.s32 $0x2800, s7  }
.LBB2_1:
0x10: {  	[spmem:s10], [sflag:s6] =	dma.local [hbm:s5], $0x2800  }
0x11: {  	_ =	swait.ge [sflag:s11], $0x2800  }
0x12: {  	[sflag:s11] =	ssyncset.done $0x0  }
0x13: {  	[sflag:s11] =	ssyncadd.s32 $0xFFFFD800  }
0x14: {  	[tilespmem:s12], [sflag:$0x3] =	stream.linear.gather [hbm4b:s2+s4], $0x4000, $0x38;
	[tilespmem:$0x18100] =	vst v63  }
0x15: {  	_ =	swait.ge [sflag:s11], $0x4000  }
0x16: {  	[sflag:s11] =	ssyncset.done $0x0  }
0x17: {  	[sflag:s11] =	ssyncadd.s32 $0xFFFFC000  }
0x18: {  	[bflag:$0x0] =	sbarrier.arrive $0xFFFF  }
0x19: {  	[tilespmem:s13], [sflag:$0x3] =	stream.linear.gather [hbm4b:s7+s4], $0x80, $0x38;
	[tilespmem:$0x18100] =	vst v63  }
0x1a: {  	_ =	swait.ge [sflag:s11], $0x80  }
0x1b: {  	[sflag:s11] =	ssyncset.done $0x0  }
0x1c: {  	s19 =	sadd.s32 $0xFFFFFB00, s7;
	[sflag:s11] =	ssyncadd.s32 $0xFFFFFF80  }
0x1d: {  	[spmem:s3] =	stream.indirect.scatter.add.f32 [tilespmem:s12], [sflag:$0x1], $0x80, s13, s14, $0xb8;
	[tilespmem:$0x18100] =	vst v63  }
0x1e: {  	s20 =	sadd.s32 $0x510, s19  }
0x1f: {  	[tilespmem:s15], [sflag:$0x3] =	stream.linear.gather [hbm4b:s20+s4], $0x80, $0x38;
	[tilespmem:$0x18100] =	vst v63  }
0x20: {  	_ =	swait.ge [sflag:s11], $0x80  }
0x21: {  	[sflag:s11] =	ssyncset.done $0x0  }
0x22: {  	[sflag:s11] =	ssyncadd.s32 $0xFFFFFF80  }
0x23: {  	_ =	swait.ge [sflag:s16], $0x4000  }
0x24: {  	[sflag:s16] =	ssyncset.done $0x0  }
0x25: {  	[sflag:s16] =	ssyncadd.s32 $0xFFFFC000  }
0x26: {  	[spmem:s3] =	stream.indirect.scatter.add.f32 [tilespmem:s12], [sflag:$0x2], $0x80, s15, s14, $0xb8;
	[tilespmem:$0x18100] =	vst v63  }
0x27: {  	s19 =	sadd.s32 $0x520, s19  }
0x28: {  	[tilespmem:s13], [sflag:$0x3] =	stream.linear.gather [hbm4b:s19+s4], $0x80, $0x38;
	[tilespmem:$0x18100] =	vst v63  }
0x29: {  	_ =	swait.ge [sflag:s11], $0x80  }
0x2a: {  	[sflag:s11] =	ssyncset.done $0x0  }
0x2b: {  	[sflag:s11] =	ssyncadd.s32 $0xFFFFFF80  }
0x2c: {  	_ =	swait.ge [sflag:s17], $0x4000  }
0x2d: {  	s19 =	simm.s32 $0xFFFFFB20;
	[sflag:s17] =	ssyncset.done $0x0  }
.LBB2_2:
0x2e: {  	s21 =	smov.u32 s19  }
0x2f: {  	s20 =	sadd.s32 s19, s7;
	[sflag:s17] =	ssyncadd.s32 $0xFFFFC000;
	s21 =	sadd.s32 $0x20, s19  }
0x30: {  	[spmem:s3] =	stream.indirect.scatter.add.f32 [tilespmem:s12], [sflag:$0x1], $0x80, s13, s14, $0xb8;
	[tilespmem:$0x18100] =	vst v63  }
0x31: {  	p0 =	sne.s32 s19, $0xFFFFFFE0;
	s22 =	sadd.s32 $0x510, s20  }
0x32: {  	[tilespmem:s15], [sflag:$0x3] =	stream.linear.gather [hbm4b:s22+s4], $0x80, $0x38;
	[tilespmem:$0x18100] =	vst v63  }
0x33: {  	_ =	swait.ge [sflag:s11], $0x80  }
0x34: {  	[sflag:s11] =	ssyncset.done $0x0  }
0x35: {  	[sflag:s11] =	ssyncadd.s32 $0xFFFFFF80  }
0x36: {  	_ =	swait.ge [sflag:s16], $0x4000  }
0x37: {  	[sflag:s16] =	ssyncset.done $0x0  }
0x38: {  	[sflag:s16] =	ssyncadd.s32 $0xFFFFC000  }
0x39: {  	[spmem:s3] =	stream.indirect.scatter.add.f32 [tilespmem:s12], [sflag:$0x2], $0x80, s15, s14, $0xb8;
	[tilespmem:$0x18100] =	vst v63  }
0x3a: {  	s19 =	sadd.s32 $0x520, s20  }
0x3b: {  	[tilespmem:s13], [sflag:$0x3] =	stream.linear.gather [hbm4b:s19+s4], $0x80, $0x38;
	[tilespmem:$0x18100] =	vst v63  }
.Ltmp0:
0x3c: {  	_ =	swait.ge [sflag:s11], $0x80;
	(pc) =	sbr.rel @p0 .LBB2_2-.Ltmp0, $4  }
0x3d: {  	[sflag:s11] =	ssyncset.done $0x0  }
0x3e: {  	[sflag:s11] =	ssyncadd.s32 $0xFFFFFF80  }
0x3f: {  	_ =	swait.ge [sflag:s17], $0x4000  }
0x40: {  	s19 =	smov.u32 s21;
	[sflag:s17] =	ssyncset.done $0x0  }
0x41: {  	s18 =	sadd.s32 $0x1, s18  }
0x42: {  	[sflag:s17] =	ssyncadd.s32 $0xFFFFC000;
	p0 =	sne.s32 s18, s9  }
.Ltmp1:
0x43: {  	[bflag:$0x0] =	sbarrier.arrive $0xFFFF;
	(pc) =	sbr.rel @p0 .LBB2_1-.Ltmp1, $4  }
0x44: {  	[hbm:s8], [sflag:s6] =	dma.local [spmem:s10], $0x2800  }
0x45: {  	_ =	swait.ge [sflag:s11], $0x2800  }
0x46: {  	[sflag:s11] =	ssyncset.done $0x0  }
0x47: {  	[sflag:s11] =	ssyncadd.s32 $0xFFFFD800  }
0x48: {  	_ =	sfence.sel $0x180000  }
0x49: {  	[bflag:$0x0] =	sbarrier.arrive $0xFFFF  }
0x4a: {  	p0 =	sne.s32 s0, $0x0;
	_ =	strace $0x90000047  }
0x4b: {  	s0 =	sadd.s32 @!p0 $0x100000, s1;
	[bflag:$0x2] =	sbarrier.arrive $0xFFFF  }
0x4c: {  	[sflag:s0] =	ssyncadd.tile.s32 @!p0 $0x1;
	_ =	shalt  }
.Lfunc_end2:
_tile_overlayer_lowered:
.L_overlay_start_2:
0x4d: {  	(tag) =	ssettag $0x2  }
0x4e: {  	s0 =	rddreg [dreg:$0x0];
	s2 =	stileid.u32  }
0x4f: {  	s1 =	rddreg [dreg:$0x1];
	p0 =	sne.s32 s2, $0x0  }
0x50: {  	s3 =	rddreg [dreg:$0x2];
	[bflag:$0x3] =	sbarrier.arrive $0xFFFF;
	s2 =	simm.s32 @!p0 $0x1C03  }
0x51: {  	[timem:s3], [sflag:s2] =	dma.local @!p0 [hbm:s0], s1  }
0x52: {  	s0 =	simm.s32 @!p0 $0x3  }
0x53: {  	_ =	swait.ge @!p0 [sflag:s0], s1  }
0x54: {  	s1 =	ssub.s32 @!p0 $0x0, s1;
	[sflag:s0] =	ssyncset.done @!p0 $0x0  }
0x55: {  	[sflag:s0] =	ssyncadd.s32 @!p0 s1  }
0x56: {  	[bflag:$0x3] =	sbarrier.arrive $0xFFFF  }
0x57: {  	_ =	shalt  }

</sc_bundles>
